<compile_context>
chip_gen: v7x
topology: tpu7x:2x2x1
jax: 0.10.2.dev20260603
libtpu: 0.0.44.dev20260713+nightly
codegen_flags: <defaults>
</compile_context>

<pallas_src>
import functools

import jax
import jax.numpy as jnp
from jax import lax
from jax.experimental import pallas as pl
from jax.experimental.pallas import tpu as pltpu
from jax.experimental.pallas import tpu_sc as plsc

N = 10000
E = 320000
D = 128
NC, NS = 2, 16
NW = NC * NS
CHUNK = 72
ITERS = 140
EPT = CHUNK * ITERS
E_PAD = EPT * NW
N_PAD = 10112
ROWS_PT = N_PAD // NS
NBUF = 4

_MESH = dict(core_axis_name="c", subcore_axis_name="s", num_cores=NC,
             num_subcores=NS)



def _deg_body(src_hbm, dst_hbm, dout_hbm, din_hbm,
              srcv, dstv, dout_acc, din_acc, sem):
  c = lax.axis_index("c")
  s = lax.axis_index("s")
  tile = c * NS + s

  def z(i, carry):
    dout_acc[pl.ds(i * 16, 16)] = jnp.zeros((16,), jnp.float32)
    din_acc[pl.ds(i * 16, 16)] = jnp.zeros((16,), jnp.float32)
    return carry

  lax.fori_loop(0, N_PAD // 16, z, 0)

  base = pl.multiple_of(tile * EPT, 8)
  pltpu.sync_copy(src_hbm.at[pl.ds(base, EPT)], srcv)
  pltpu.sync_copy(dst_hbm.at[pl.ds(base, EPT)], dstv)
  ones = jnp.ones((16,), jnp.float32)

  def it(i, carry):
    plsc.addupdate_scatter(dout_acc, [srcv[pl.ds(i * 16, 16)]], ones)
    plsc.addupdate_scatter(din_acc, [dstv[pl.ds(i * 16, 16)]], ones)
    return carry

  lax.fori_loop(0, EPT // 16, it, 0)
  pltpu.sync_copy(dout_acc, dout_hbm.at[tile])
  pltpu.sync_copy(din_acc, din_hbm.at[tile])


@functools.cache
def _deg_kernel():
  return pl.kernel(
      _deg_body,
      out_type=(jax.ShapeDtypeStruct((NW, N_PAD), jnp.float32),
                jax.ShapeDtypeStruct((NW, N_PAD), jnp.float32)),
      mesh=plsc.VectorSubcoreMesh(**_MESH),
      scratch_types=[
          pltpu.VMEM((EPT,), jnp.int32),
          pltpu.VMEM((EPT,), jnp.int32),
          pltpu.VMEM((N_PAD,), jnp.float32),
          pltpu.VMEM((N_PAD,), jnp.float32),
          pltpu.SemaphoreType.DMA,
      ],
      compiler_params=pltpu.CompilerParams(needs_layout_passes=False),
  )


def _agg_body(h_hbm, src_hbm, dst_hbm, zeros_hbm, out_hbm,
              srcv, dstb, rows, acc, sems_g, sems_i):
  c = lax.axis_index("c")
  s = lax.axis_index("s")
  tile = c * NS + s
  r0 = pl.multiple_of(s * ROWS_PT, 8)
  pltpu.sync_copy(zeros_hbm.at[pl.ds(r0, ROWS_PT)], acc.at[pl.ds(r0, ROWS_PT)])
  e0 = pl.multiple_of(tile * EPT, 8)
  pltpu.sync_copy(src_hbm.at[pl.ds(e0, EPT)], srcv)
  plsc.subcore_barrier()

  def gather(i, b):
    idx = pl.multiple_of(i * CHUNK, 8)
    pltpu.async_copy(h_hbm.at[srcv.at[pl.ds(idx, CHUNK)]], rows[b], sems_g[b])

  def wait_gather(i, b):
    idx = pl.multiple_of(i * CHUNK, 8)
    pltpu.make_async_copy(h_hbm.at[srcv.at[pl.ds(idx, CHUNK)]], rows[b],
                          sems_g[b]).wait()

  def dst_fetch(i, b):
    base = pl.multiple_of(e0 + i * CHUNK, 8)
    pltpu.async_copy(dst_hbm.at[pl.ds(base, CHUNK)], dstb[b], sems_i[b])

  def wait_dst(i, b):
    base = pl.multiple_of(e0 + i * CHUNK, 8)
    pltpu.make_async_copy(dst_hbm.at[pl.ds(base, CHUNK)], dstb[b],
                          sems_i[b]).wait()

  for b in range(NBUF):
    dst_fetch(b, b)
    gather(b, b)

  def it(outer, carry):
    for b in range(NBUF):
      i = outer * NBUF + b
      wait_gather(i, b)
      wait_dst(i, b)
      pltpu.sync_copy(rows[b], acc.at[dstb[b]], add=True)
      dst_fetch(i + NBUF, b)
      gather(i + NBUF, b)
    return carry

  lax.fori_loop(0, (ITERS - NBUF) // NBUF, it, 0)
  for b in range(NBUF):
    i = ITERS - NBUF + b
    wait_gather(i, b)
    wait_dst(i, b)
    pltpu.sync_copy(rows[b], acc.at[dstb[b]], add=True)

  plsc.subcore_barrier()
  pltpu.sync_copy(acc.at[pl.ds(r0, ROWS_PT)], out_hbm.at[c, pl.ds(r0, ROWS_PT)])


@functools.cache
def _agg_kernel():
  return pl.kernel(
      _agg_body,
      out_type=jax.ShapeDtypeStruct((NC, N_PAD, D), jnp.float32),
      mesh=plsc.VectorSubcoreMesh(**_MESH),
      scratch_types=[
          pltpu.VMEM((EPT,), jnp.int32),
          [pltpu.VMEM((CHUNK,), jnp.int32)] * NBUF,
          [pltpu.VMEM((CHUNK, D), jnp.float32)] * NBUF,
          pltpu.VMEM_SHARED((N_PAD, D), jnp.float32),
          [pltpu.SemaphoreType.DMA] * NBUF,
          [pltpu.SemaphoreType.DMA] * NBUF,
      ],
  )



def _scale_from_parts(parts_ref):
  d = jnp.sum(parts_ref[...], axis=0)[:, None]
  return lax.rsqrt(jnp.maximum(d, 1.0))


def _tc_pre_body(feat_ref, dop_ref, h_ref):
  dos = _scale_from_parts(dop_ref)
  h_ref[:N] = feat_ref[...] * dos[:N]
  h_ref[N:] = jnp.zeros((N_PAD - N, D), jnp.float32)


def _tc_mid_body(p_ref, w_ref, b_ref, dop_ref, dip_ref, h_ref):
  agg = p_ref[0] + p_ref[1]
  dis = _scale_from_parts(dip_ref)
  dos = _scale_from_parts(dop_ref)
  rst = jnp.dot(agg, w_ref[...], preferred_element_type=jnp.float32)
  x = jnp.maximum(rst * dis + b_ref[...], 0.0)
  h_ref[:N] = x[:N] * dos[:N]
  h_ref[N:] = jnp.zeros((N_PAD - N, D), jnp.float32)


def _tc_post_body(p_ref, w_ref, b_ref, dip_ref,
                  wm0_ref, bm0_ref, wm1_ref, bm1_ref,
                  wm2_ref, bm2_ref, wm3_ref, bm3_ref, y_ref):
  agg = p_ref[0, :N, :] + p_ref[1, :N, :]
  dis = _scale_from_parts(dip_ref)[:N]
  rst = jnp.dot(agg, w_ref[...], preferred_element_type=jnp.float32)
  x = jnp.maximum(rst * dis + b_ref[...], 0.0)
  hg = jnp.mean(x, axis=0, keepdims=True)
  y = jnp.maximum(
      jnp.dot(hg, wm0_ref[...], preferred_element_type=jnp.float32)
      + bm0_ref[...], 0.0)
  y = jnp.maximum(
      jnp.dot(y, wm1_ref[...], preferred_element_type=jnp.float32)
      + bm1_ref[...], 0.0)
  y = jnp.maximum(
      jnp.dot(y, wm2_ref[...], preferred_element_type=jnp.float32)
      + bm2_ref[...], 0.0)
  y_ref[...] = (jnp.sum(y * wm3_ref[...].reshape(1, 16), axis=1, keepdims=True)
                + bm3_ref[...])



def kernel(feat, edge_index, W1, b1, W2, b2,
           Wm0, bm0, Wm1, bm1, Wm2, bm2, Wm3, bm3):
  pad = N + jnp.arange(E_PAD - E, dtype=jnp.int32) % (N_PAD - N)
  src = jnp.concatenate([edge_index[0], pad])
  dst = jnp.concatenate([edge_index[1], pad])
  zeros_agg = jnp.zeros((N_PAD, D), jnp.float32)

  dout_parts, din_parts = _deg_kernel()(src, dst)

  h1 = pl.pallas_call(
      _tc_pre_body,
      out_shape=jax.ShapeDtypeStruct((N_PAD, D), jnp.float32),
  )(feat, dout_parts)

  agg1 = _agg_kernel()(h1, src, dst, zeros_agg)

  h2 = pl.pallas_call(
      _tc_mid_body,
      out_shape=jax.ShapeDtypeStruct((N_PAD, D), jnp.float32),
  )(agg1, W1, b1.reshape(1, D), dout_parts, din_parts)

  agg2 = _agg_kernel()(h2, src, dst, zeros_agg)

  y = pl.pallas_call(
      _tc_post_body,
      out_shape=jax.ShapeDtypeStruct((1, 1), jnp.float32),
  )(agg2, W2, b2.reshape(1, D), din_parts,
    Wm0, bm0.reshape(1, -1), Wm1, bm1.reshape(1, -1),
    Wm2, bm2.reshape(1, -1), Wm3, bm3.reshape(1, -1))
  return y

# --- scband reference (transcript-rebuilt; emitter-appended) ---
"""Pipeline reference for scband-regress-5033701670954 (READ-ONLY COPY).

The authoritative reference and input builder live on the scoring server;
editing this copy changes nothing except your own understanding.
"""

import jax, jax.numpy as jnp
import numpy as np

N_NODES = 10000
N_EDGES = 320000
D_IN = 128
D_H = 128


def setup_inputs(seed: int = 0) -> dict:
    key = jax.random.key(seed)
    ks = jax.random.split(key, 16)
    inp = {}
    inp["feat"] = jax.random.normal(ks[0], (N_NODES, D_IN), dtype=jnp.float32)
    inp["edge_index"] = jax.random.randint(ks[1], (2, N_EDGES), 0, N_NODES, dtype=jnp.int32)
    # GraphConv weights (DGL GraphConv: weight [in, out], bias [out])
    inp["W1"] = jax.random.normal(ks[2], (D_IN, D_H), dtype=jnp.float32) * (1.0 / np.sqrt(D_IN))
    inp["b1"] = jnp.zeros((D_H,), dtype=jnp.float32)
    inp["W2"] = jax.random.normal(ks[3], (D_H, D_H), dtype=jnp.float32) * (1.0 / np.sqrt(D_H))
    inp["b2"] = jnp.zeros((D_H,), dtype=jnp.float32)
    # MLPReadout: input_dim=128, L=3 -> 128->64->32->16->1
    dims = [D_H, D_H // 2, D_H // 4, D_H // 8, 1]
    for l in range(4):
        fi, fo = dims[l], dims[l + 1]
        inp[f"Wm{l}"] = jax.random.normal(ks[4 + l], (fi, fo), dtype=jnp.float32) * (1.0 / np.sqrt(fi))
        inp[f"bm{l}"] = jnp.zeros((fo,), dtype=jnp.float32)
    return inp


def graph_conv(feat, src, dst, W, b):
    # DGL GraphConv, norm='both', allow_zero_in_degree=True
    n = feat.shape[0]
    deg_out = jnp.clip(jnp.bincount(src, length=n), 1).astype(feat.dtype)
    deg_in = jnp.clip(jnp.bincount(dst, length=n), 1).astype(feat.dtype)
    h = feat * (deg_out ** -0.5)[:, None]
    # message passing: copy_u + sum aggregation (in_feats == out_feats -> aggregate first, then matmul)
    agg = jnp.zeros((n, h.shape[1]), dtype=h.dtype).at[dst].add(h[src])
    rst = agg @ W
    rst = rst * (deg_in ** -0.5)[:, None] + b
    return rst


def reference(feat, edge_index, W1, b1, W2, b2, Wm0, bm0, Wm1, bm1, Wm2, bm2, Wm3, bm3):
    src = edge_index[0]
    dst = edge_index[1]
    x = jax.nn.relu(graph_conv(feat, src, dst, W1, b1))
    x = jax.nn.relu(graph_conv(x, src, dst, W2, b2))
    # dgl.mean_nodes over a single batched graph -> [1, hidden]
    hg = jnp.mean(x, axis=0, keepdims=True)
    y = jax.nn.relu(hg @ Wm0 + bm0)
    y = jax.nn.relu(y @ Wm1 + bm1)
    y = jax.nn.relu(y @ Wm2 + bm2)
    y = y @ Wm3 + bm3
    return y

if __name__ == "__main__":
    import jax
    _d = setup_inputs()
    print(jax.jit(kernel)(*tuple(_d.values())))

</pallas_src>

<mosaic_0001>
#map = affine_map<(d0, d1) -> (0, 0)>
#map1 = affine_map<(d0, d1) -> (0)>
#map2 = affine_map<(d0, d1) -> (0, 0, 0)>
module attributes {stable_mosaic.version = 14 : i64} {
  func.func @_agg_body(%arg0: i32, %arg1: i32, %arg2: memref<10112x128xf32, #tpu.memory_space<hbm>>, %arg3: memref<322560xi32, #tpu.memory_space<hbm>>, %arg4: memref<322560xi32, #tpu.memory_space<hbm>>, %arg5: memref<10112x128xf32, #tpu.memory_space<hbm>>, %arg6: memref<2x10112x128xf32, #tpu.memory_space<hbm>>, %arg7: memref<10080xi32, #tpu.memory_space<vmem>>, %arg8: memref<72xi32, #tpu.memory_space<vmem>>, %arg9: memref<72xi32, #tpu.memory_space<vmem>>, %arg10: memref<72xi32, #tpu.memory_space<vmem>>, %arg11: memref<72xi32, #tpu.memory_space<vmem>>, %arg12: memref<72x128xf32, #tpu.memory_space<vmem>>, %arg13: memref<72x128xf32, #tpu.memory_space<vmem>>, %arg14: memref<72x128xf32, #tpu.memory_space<vmem>>, %arg15: memref<72x128xf32, #tpu.memory_space<vmem>>, %arg16: memref<10112x128xf32, #tpu.memory_space<vmem_shared>>, %arg17: memref<!tpu.dma_semaphore, #tpu.memory_space<semaphore_mem>>, %arg18: memref<!tpu.dma_semaphore, #tpu.memory_space<semaphore_mem>>, %arg19: memref<!tpu.dma_semaphore, #tpu.memory_space<semaphore_mem>>, %arg20: memref<!tpu.dma_semaphore, #tpu.memory_space<semaphore_mem>>, %arg21: memref<!tpu.dma_semaphore, #tpu.memory_space<semaphore_mem>>, %arg22: memref<!tpu.dma_semaphore, #tpu.memory_space<semaphore_mem>>, %arg23: memref<!tpu.dma_semaphore, #tpu.memory_space<semaphore_mem>>, %arg24: memref<!tpu.dma_semaphore, #tpu.memory_space<semaphore_mem>>) attributes {dimension_semantics = [#tpu.dimension_semantics<core_parallel>, #tpu.dimension_semantics<subcore_parallel>], iteration_bounds = array<i64: 2, 16>, scalar_prefetch = 0 : i64, scratch_operands = 18 : i64, tpu.core_type = #tpu.core_type<sc_vector_subcore>, window_params = [{transform_indices = #map}, {transform_indices = #map1}, {transform_indices = #map1}, {transform_indices = #map}, {transform_indices = #map2}]} {
    %mul3A = arith.constant 16 : i32
    %mul3A_0 = arith.muli %arg0, %mul3A : i32
    %add3A = arith.addi %mul3A_0, %arg1 : i32
    %mul3A_1 = arith.constant 632 : i32
    %mul3A_2 = arith.muli %arg1, %mul3A_1 : i32
    %multiple_of3A = tpu.assume_multiple %mul3A_2, 8 : i32
    "tpu.region"() ({
      %run_scoped3A = tpu.sem_alloc : memref<!tpu.dma_semaphore, #tpu.memory_space<semaphore_mem>>
      %dma_start3A_98 = arith.constant 0 : i32
      %dma_start3A_99 = tpu.memref_slice %arg16[%multiple_of3A, %dma_start3A_98] : memref<10112x128xf32, #tpu.memory_space<vmem_shared>> -> memref<632x128xf32, #tpu.memory_space<vmem_shared>>
      %dma_start3A_100 = arith.constant 0 : i32
      %dma_start3A_101 = tpu.memref_slice %arg5[%multiple_of3A, %dma_start3A_100] : memref<10112x128xf32, #tpu.memory_space<hbm>> -> memref<632x128xf32, #tpu.memory_space<hbm>>
      tpu.enqueue_dma source(%dma_start3A_101 : memref<632x128xf32, #tpu.memory_space<hbm>>) target(%dma_start3A_99 : memref<632x128xf32, #tpu.memory_space<vmem_shared>>) target_semaphore(%run_scoped3A : memref<!tpu.dma_semaphore, #tpu.memory_space<semaphore_mem>>)
      %dma_wait3A_102 = arith.constant 0 : i32
      %dma_wait3A_103 = tpu.memref_slice %arg16[%multiple_of3A, %dma_wait3A_102] : memref<10112x128xf32, #tpu.memory_space<vmem_shared>> -> memref<632x128xf32, #tpu.memory_space<vmem_shared>>
      %dma_wait3A_104 = arith.constant 0 : i32
      %dma_wait3A_105 = tpu.memref_slice %arg5[%multiple_of3A, %dma_wait3A_104] : memref<10112x128xf32, #tpu.memory_space<hbm>> -> memref<632x128xf32, #tpu.memory_space<hbm>>
      tpu.wait_dma2 semaphore(%run_scoped3A : memref<!tpu.dma_semaphore, #tpu.memory_space<semaphore_mem>>) src(%dma_wait3A_105 : memref<632x128xf32, #tpu.memory_space<hbm>>) dst(%dma_wait3A_103 : memref<632x128xf32, #tpu.memory_space<vmem_shared>>)
      tpu.yield
    }) : () -> ()
    %mul3A_3 = arith.constant 10080 : i32
    %mul3A_4 = arith.muli %add3A, %mul3A_3 : i32
    %multiple_of3A_5 = tpu.assume_multiple %mul3A_4, 8 : i32
    "tpu.region"() ({
      %run_scoped3A = tpu.sem_alloc : memref<!tpu.dma_semaphore, #tpu.memory_space<semaphore_mem>>
      %dma_start3A_98 = tpu.memref_slice %arg3[%multiple_of3A_5] : memref<322560xi32, #tpu.memory_space<hbm>> -> memref<10080xi32, #tpu.memory_space<hbm>>
      %dma_start3A_99 = tpu.memref_slice %arg3[%multiple_of3A_5] : memref<322560xi32, #tpu.memory_space<hbm>> -> memref<10080xi32, #tpu.memory_space<hbm>>
      tpu.enqueue_dma source(%dma_start3A_99 : memref<10080xi32, #tpu.memory_space<hbm>>) target(%arg7 : memref<10080xi32, #tpu.memory_space<vmem>>) target_semaphore(%run_scoped3A : memref<!tpu.dma_semaphore, #tpu.memory_space<semaphore_mem>>)
      %dma_wait3A_100 = tpu.memref_slice %arg3[%multiple_of3A_5] : memref<322560xi32, #tpu.memory_space<hbm>> -> memref<10080xi32, #tpu.memory_space<hbm>>
      %dma_wait3A_101 = tpu.memref_slice %arg3[%multiple_of3A_5] : memref<322560xi32, #tpu.memory_space<hbm>> -> memref<10080xi32, #tpu.memory_space<hbm>>
      tpu.wait_dma2 semaphore(%run_scoped3A : memref<!tpu.dma_semaphore, #tpu.memory_space<semaphore_mem>>) src(%dma_wait3A_101 : memref<10080xi32, #tpu.memory_space<hbm>>) dst(%arg7 : memref<10080xi32, #tpu.memory_space<vmem>>)
      tpu.yield
    }) : () -> ()
    %barrier3A = arith.constant 0 : index
    tpu.barrier barrier_id(%barrier3A)
    %add3A_6 = arith.constant 0 : i32
    %add3A_7 = arith.addi %multiple_of3A_5, %add3A_6 : i32
    %multiple_of3A_8 = tpu.assume_multiple %add3A_7, 8 : i32
    %dma_start3A = tpu.memref_slice %arg4[%multiple_of3A_8] : memref<322560xi32, #tpu.memory_space<hbm>> -> memref<72xi32, #tpu.memory_space<hbm>>
    %dma_start3A_9 = tpu.memref_slice %arg4[%multiple_of3A_8] : memref<322560xi32, #tpu.memory_space<hbm>> -> memref<72xi32, #tpu.memory_space<hbm>>
    tpu.enqueue_dma source(%dma_start3A_9 : memref<72xi32, #tpu.memory_space<hbm>>) target(%arg8 : memref<72xi32, #tpu.memory_space<vmem>>) target_semaphore(%arg21 : memref<!tpu.dma_semaphore, #tpu.memory_space<semaphore_mem>>)
    %multiple_of3A_10 = arith.constant 0 : i32
    %multiple_of3A_11 = tpu.assume_multiple %multiple_of3A_10, 8 : i32
    %dma_start3A_12 = tpu.memref_slice %arg7[%multiple_of3A_11] : memref<10080xi32, #tpu.memory_space<vmem>> -> memref<72xi32, #tpu.memory_space<vmem>>
    %dma_start3A_13 = arith.constant 0 : i32
    %dma_start3A_14 = arith.constant 0 : i32
    %dma_start3A_15 = tpu.memref_slice %arg2[%dma_start3A_13, %dma_start3A_14] : memref<10112x128xf32, #tpu.memory_space<hbm>> -> memref<10112x128xf32, #tpu.memory_space<hbm>>
    tpu.enqueue_indirect_dma source(%dma_start3A_15 : memref<10112x128xf32, #tpu.memory_space<hbm>>) target(%arg12 : memref<72x128xf32, #tpu.memory_space<vmem>>) offsets(%dma_start3A_12 : memref<72xi32, #tpu.memory_space<vmem>>) semaphore(%arg17 : memref<!tpu.dma_semaphore, #tpu.memory_space<semaphore_mem>>)
    %add3A_16 = arith.constant 72 : i32
    %add3A_17 = arith.addi %multiple_of3A_5, %add3A_16 : i32
    %multiple_of3A_18 = tpu.assume_multiple %add3A_17, 8 : i32
    %dma_start3A_19 = tpu.memref_slice %arg4[%multiple_of3A_18] : memref<322560xi32, #tpu.memory_space<hbm>> -> memref<72xi32, #tpu.memory_space<hbm>>
    %dma_start3A_20 = tpu.memref_slice %arg4[%multiple_of3A_18] : memref<322560xi32, #tpu.memory_space<hbm>> -> memref<72xi32, #tpu.memory_space<hbm>>
    tpu.enqueue_dma source(%dma_start3A_20 : memref<72xi32, #tpu.memory_space<hbm>>) target(%arg9 : memref<72xi32, #tpu.memory_space<vmem>>) target_semaphore(%arg22 : memref<!tpu.dma_semaphore, #tpu.memory_space<semaphore_mem>>)
    %multiple_of3A_21 = arith.constant 72 : i32
    %multiple_of3A_22 = tpu.assume_multiple %multiple_of3A_21, 8 : i32
    %dma_start3A_23 = tpu.memref_slice %arg7[%multiple_of3A_22] : memref<10080xi32, #tpu.memory_space<vmem>> -> memref<72xi32, #tpu.memory_space<vmem>>
    %dma_start3A_24 = arith.constant 0 : i32
    %dma_start3A_25 = arith.constant 0 : i32
    %dma_start3A_26 = tpu.memref_slice %arg2[%dma_start3A_24, %dma_start3A_25] : memref<10112x128xf32, #tpu.memory_space<hbm>> -> memref<10112x128xf32, #tpu.memory_space<hbm>>
    tpu.enqueue_indirect_dma source(%dma_start3A_26 : memref<10112x128xf32, #tpu.memory_space<hbm>>) target(%arg13 : memref<72x128xf32, #tpu.memory_space<vmem>>) offsets(%dma_start3A_23 : memref<72xi32, #tpu.memory_space<vmem>>) semaphore(%arg18 : memref<!tpu.dma_semaphore, #tpu.memory_space<semaphore_mem>>)
    %add3A_27 = arith.constant 144 : i32
    %add3A_28 = arith.addi %multiple_of3A_5, %add3A_27 : i32
    %multiple_of3A_29 = tpu.assume_multiple %add3A_28, 8 : i32
    %dma_start3A_30 = tpu.memref_slice %arg4[%multiple_of3A_29] : memref<322560xi32, #tpu.memory_space<hbm>> -> memref<72xi32, #tpu.memory_space<hbm>>
    %dma_start3A_31 = tpu.memref_slice %arg4[%multiple_of3A_29] : memref<322560xi32, #tpu.memory_space<hbm>> -> memref<72xi32, #tpu.memory_space<hbm>>
    tpu.enqueue_dma source(%dma_start3A_31 : memref<72xi32, #tpu.memory_space<hbm>>) target(%arg10 : memref<72xi32, #tpu.memory_space<vmem>>) target_semaphore(%arg23 : memref<!tpu.dma_semaphore, #tpu.memory_space<semaphore_mem>>)
    %multiple_of3A_32 = arith.constant 144 : i32
    %multiple_of3A_33 = tpu.assume_multiple %multiple_of3A_32, 8 : i32
    %dma_start3A_34 = tpu.memref_slice %arg7[%multiple_of3A_33] : memref<10080xi32, #tpu.memory_space<vmem>> -> memref<72xi32, #tpu.memory_space<vmem>>
    %dma_start3A_35 = arith.constant 0 : i32
    %dma_start3A_36 = arith.constant 0 : i32
    %dma_start3A_37 = tpu.memref_slice %arg2[%dma_start3A_35, %dma_start3A_36] : memref<10112x128xf32, #tpu.memory_space<hbm>> -> memref<10112x128xf32, #tpu.memory_space<hbm>>
    tpu.enqueue_indirect_dma source(%dma_start3A_37 : memref<10112x128xf32, #tpu.memory_space<hbm>>) target(%arg14 : memref<72x128xf32, #tpu.memory_space<vmem>>) offsets(%dma_start3A_34 : memref<72xi32, #tpu.memory_space<vmem>>) semaphore(%arg19 : memref<!tpu.dma_semaphore, #tpu.memory_space<semaphore_mem>>)
    %add3A_38 = arith.constant 216 : i32
    %add3A_39 = arith.addi %multiple_of3A_5, %add3A_38 : i32
    %multiple_of3A_40 = tpu.assume_multiple %add3A_39, 8 : i32
    %dma_start3A_41 = tpu.memref_slice %arg4[%multiple_of3A_40] : memref<322560xi32, #tpu.memory_space<hbm>> -> memref<72xi32, #tpu.memory_space<hbm>>
    %dma_start3A_42 = tpu.memref_slice %arg4[%multiple_of3A_40] : memref<322560xi32, #tpu.memory_space<hbm>> -> memref<72xi32, #tpu.memory_space<hbm>>
    tpu.enqueue_dma source(%dma_start3A_42 : memref<72xi32, #tpu.memory_space<hbm>>) target(%arg11 : memref<72xi32, #tpu.memory_space<vmem>>) target_semaphore(%arg24 : memref<!tpu.dma_semaphore, #tpu.memory_space<semaphore_mem>>)
    %multiple_of3A_43 = arith.constant 216 : i32
    %multiple_of3A_44 = tpu.assume_multiple %multiple_of3A_43, 8 : i32
    %dma_start3A_45 = tpu.memref_slice %arg7[%multiple_of3A_44] : memref<10080xi32, #tpu.memory_space<vmem>> -> memref<72xi32, #tpu.memory_space<vmem>>
    %dma_start3A_46 = arith.constant 0 : i32
    %dma_start3A_47 = arith.constant 0 : i32
    %dma_start3A_48 = tpu.memref_slice %arg2[%dma_start3A_46, %dma_start3A_47] : memref<10112x128xf32, #tpu.memory_space<hbm>> -> memref<10112x128xf32, #tpu.memory_space<hbm>>
    tpu.enqueue_indirect_dma source(%dma_start3A_48 : memref<10112x128xf32, #tpu.memory_space<hbm>>) target(%arg15 : memref<72x128xf32, #tpu.memory_space<vmem>>) offsets(%dma_start3A_45 : memref<72xi32, #tpu.memory_space<vmem>>) semaphore(%arg20 : memref<!tpu.dma_semaphore, #tpu.memory_space<semaphore_mem>>)
    %scan3A = arith.constant 0 : i32
    %scan3A_49 = arith.constant 0 : i32
    %scan3A_50 = arith.constant 34 : i32
    %scan3A_51 = arith.addi %scan3A_49, %scan3A_50 : i32
    %scan3A_52 = arith.constant 1 : i32
    scf.for %scan3A_98 = %scan3A_49 to %scan3A_51 step %scan3A_52  : i32 {
      %mul3A_99 = arith.constant 4 : i32
      %mul3A_100 = arith.muli %scan3A_98, %mul3A_99 : i32
      %add3A_101 = arith.constant 0 : i32
      %add3A_102 = arith.addi %mul3A_100, %add3A_101 : i32
      %mul3A_103 = arith.constant 72 : i32
      %mul3A_104 = arith.muli %add3A_102, %mul3A_103 : i32
      %multiple_of3A_105 = tpu.assume_multiple %mul3A_104, 8 : i32
      %dma_wait3A_106 = tpu.memref_slice %arg7[%multiple_of3A_105] : memref<10080xi32, #tpu.memory_space<vmem>> -> memref<72xi32, #tpu.memory_space<vmem>>
      %dma_wait3A_107 = arith.constant 0 : i32
      %dma_wait3A_108 = arith.constant 0 : i32
      %dma_wait3A_109 = tpu.memref_slice %arg2[%dma_wait3A_107, %dma_wait3A_108] : memref<10112x128xf32, #tpu.memory_space<hbm>> -> memref<10112x128xf32, #tpu.memory_space<hbm>>
      tpu.wait_indirect_dma semaphore(%arg17 : memref<!tpu.dma_semaphore, #tpu.memory_space<semaphore_mem>>) src(%dma_wait3A_109 : memref<10112x128xf32, #tpu.memory_space<hbm>>) dst(%arg12 : memref<72x128xf32, #tpu.memory_space<vmem>>)
      %mul3A_110 = arith.constant 72 : i32
      %mul3A_111 = arith.muli %add3A_102, %mul3A_110 : i32
      %add3A_112 = arith.addi %multiple_of3A_5, %mul3A_111 : i32
      %multiple_of3A_113 = tpu.assume_multiple %add3A_112, 8 : i32
      %dma_wait3A_114 = tpu.memref_slice %arg4[%multiple_of3A_113] : memref<322560xi32, #tpu.memory_space<hbm>> -> memref<72xi32, #tpu.memory_space<hbm>>
      %dma_wait3A_115 = tpu.memref_slice %arg4[%multiple_of3A_113] : memref<322560xi32, #tpu.memory_space<hbm>> -> memref<72xi32, #tpu.memory_space<hbm>>
      tpu.wait_dma2 semaphore(%arg21 : memref<!tpu.dma_semaphore, #tpu.memory_space<semaphore_mem>>) src(%dma_wait3A_115 : memref<72xi32, #tpu.memory_space<hbm>>) dst(%arg8 : memref<72xi32, #tpu.memory_space<vmem>>)
      "tpu.region"() ({
        %run_scoped3A = tpu.sem_alloc : memref<!tpu.dma_semaphore, #tpu.memory_space<semaphore_mem>>
        %dma_start3A_235 = arith.constant 0 : i32
        %dma_start3A_236 = arith.constant 0 : i32
        %dma_start3A_237 = tpu.memref_slice %arg16[%dma_start3A_235, %dma_start3A_236] : memref<10112x128xf32, #tpu.memory_space<vmem_shared>> -> memref<10112x128xf32, #tpu.memory_space<vmem_shared>>
        tpu.enqueue_indirect_dma source(%arg12 : memref<72x128xf32, #tpu.memory_space<vmem>>) target(%dma_start3A_237 : memref<10112x128xf32, #tpu.memory_space<vmem_shared>>) offsets(%arg8 : memref<72xi32, #tpu.memory_space<vmem>>) semaphore(%run_scoped3A : memref<!tpu.dma_semaphore, #tpu.memory_space<semaphore_mem>>) {add = true}
        %dma_wait3A_238 = arith.constant 0 : i32
        %dma_wait3A_239 = arith.constant 0 : i32
        %dma_wait3A_240 = tpu.memref_slice %arg16[%dma_wait3A_238, %dma_wait3A_239] : memref<10112x128xf32, #tpu.memory_space<vmem_shared>> -> memref<10112x128xf32, #tpu.memory_space<vmem_shared>>
        tpu.wait_indirect_dma semaphore(%run_scoped3A : memref<!tpu.dma_semaphore, #tpu.memory_space<semaphore_mem>>) src(%arg12 : memref<72x128xf32, #tpu.memory_space<vmem>>) dst(%dma_wait3A_240 : memref<10112x128xf32, #tpu.memory_space<vmem_shared>>)
        tpu.yield
      }) : () -> ()
      %add3A_116 = arith.constant 4 : i32
      %add3A_117 = arith.addi %add3A_102, %add3A_116 : i32
      %mul3A_118 = arith.constant 72 : i32
      %mul3A_119 = arith.muli %add3A_117, %mul3A_118 : i32
      %add3A_120 = arith.addi %multiple_of3A_5, %mul3A_119 : i32
      %multiple_of3A_121 = tpu.assume_multiple %add3A_120, 8 : i32
      %dma_start3A_122 = tpu.memref_slice %arg4[%multiple_of3A_121] : memref<322560xi32, #tpu.memory_space<hbm>> -> memref<72xi32, #tpu.memory_space<hbm>>
      %dma_start3A_123 = tpu.memref_slice %arg4[%multiple_of3A_121] : memref<322560xi32, #tpu.memory_space<hbm>> -> memref<72xi32, #tpu.memory_space<hbm>>
      tpu.enqueue_dma source(%dma_start3A_123 : memref<72xi32, #tpu.memory_space<hbm>>) target(%arg8 : memref<72xi32, #tpu.memory_space<vmem>>) target_semaphore(%arg21 : memref<!tpu.dma_semaphore, #tpu.memory_space<semaphore_mem>>)
      %add3A_124 = arith.constant 4 : i32
      %add3A_125 = arith.addi %add3A_102, %add3A_124 : i32
      %mul3A_126 = arith.constant 72 : i32
      %mul3A_127 = arith.muli %add3A_125, %mul3A_126 : i32
      %multiple_of3A_128 = tpu.assume_multiple %mul3A_127, 8 : i32
      %dma_start3A_129 = tpu.memref_slice %arg7[%multiple_of3A_128] : memref<10080xi32, #tpu.memory_space<vmem>> -> memref<72xi32, #tpu.memory_space<vmem>>
      %dma_start3A_130 = arith.constant 0 : i32
      %dma_start3A_131 = arith.constant 0 : i32
      %dma_start3A_132 = tpu.memref_slice %arg2[%dma_start3A_130, %dma_start3A_131] : memref<10112x128xf32, #tpu.memory_space<hbm>> -> memref<10112x128xf32, #tpu.memory_space<hbm>>
      tpu.enqueue_indirect_dma source(%dma_start3A_132 : memref<10112x128xf32, #tpu.memory_space<hbm>>) target(%arg12 : memref<72x128xf32, #tpu.memory_space<vmem>>) offsets(%dma_start3A_129 : memref<72xi32, #tpu.memory_space<vmem>>) semaphore(%arg17 : memref<!tpu.dma_semaphore, #tpu.memory_space<semaphore_mem>>)
      %mul3A_133 = arith.constant 4 : i32
      %mul3A_134 = arith.muli %scan3A_98, %mul3A_133 : i32
      %add3A_135 = arith.constant 1 : i32
      %add3A_136 = arith.addi %mul3A_134, %add3A_135 : i32
      %mul3A_137 = arith.constant 72 : i32
      %mul3A_138 = arith.muli %add3A_136, %mul3A_137 : i32
      %multiple_of3A_139 = tpu.assume_multiple %mul3A_138, 8 : i32
      %dma_wait3A_140 = tpu.memref_slice %arg7[%multiple_of3A_139] : memref<10080xi32, #tpu.memory_space<vmem>> -> memref<72xi32, #tpu.memory_space<vmem>>
      %dma_wait3A_141 = arith.constant 0 : i32
      %dma_wait3A_142 = arith.constant 0 : i32
      %dma_wait3A_143 = tpu.memref_slice %arg2[%dma_wait3A_141, %dma_wait3A_142] : memref<10112x128xf32, #tpu.memory_space<hbm>> -> memref<10112x128xf32, #tpu.memory_space<hbm>>
      tpu.wait_indirect_dma semaphore(%arg18 : memref<!tpu.dma_semaphore, #tpu.memory_space<semaphore_mem>>) src(%dma_wait3A_143 : memref<10112x128xf32, #tpu.memory_space<hbm>>) dst(%arg13 : memref<72x128xf32, #tpu.memory_space<vmem>>)
      %mul3A_144 = arith.constant 72 : i32
      %mul3A_145 = arith.muli %add3A_136, %mul3A_144 : i32
      %add3A_146 = arith.addi %multiple_of3A_5, %mul3A_145 : i32
      %multiple_of3A_147 = tpu.assume_multiple %add3A_146, 8 : i32
      %dma_wait3A_148 = tpu.memref_slice %arg4[%multiple_of3A_147] : memref<322560xi32, #tpu.memory_space<hbm>> -> memref<72xi32, #tpu.memory_space<hbm>>
      %dma_wait3A_149 = tpu.memref_slice %arg4[%multiple_of3A_147] : memref<322560xi32, #tpu.memory_space<hbm>> -> memref<72xi32, #tpu.memory_space<hbm>>
      tpu.wait_dma2 semaphore(%arg22 : memref<!tpu.dma_semaphore, #tpu.memory_space<semaphore_mem>>) src(%dma_wait3A_149 : memref<72xi32, #tpu.memory_space<hbm>>) dst(%arg9 : memref<72xi32, #tpu.memory_space<vmem>>)
      "tpu.region"() ({
        %run_scoped3A = tpu.sem_alloc : memref<!tpu.dma_semaphore, #tpu.memory_space<semaphore_mem>>
        %dma_start3A_235 = arith.constant 0 : i32
        %dma_start3A_236 = arith.constant 0 : i32
        %dma_start3A_237 = tpu.memref_slice %arg16[%dma_start3A_235, %dma_start3A_236] : memref<10112x128xf32, #tpu.memory_space<vmem_shared>> -> memref<10112x128xf32, #tpu.memory_space<vmem_shared>>
        tpu.enqueue_indirect_dma source(%arg13 : memref<72x128xf32, #tpu.memory_space<vmem>>) target(%dma_start3A_237 : memref<10112x128xf32, #tpu.memory_space<vmem_shared>>) offsets(%arg9 : memref<72xi32, #tpu.memory_space<vmem>>) semaphore(%run_scoped3A : memref<!tpu.dma_semaphore, #tpu.memory_space<semaphore_mem>>) {add = true}
        %dma_wait3A_238 = arith.constant 0 : i32
        %dma_wait3A_239 = arith.constant 0 : i32
        %dma_wait3A_240 = tpu.memref_slice %arg16[%dma_wait3A_238, %dma_wait3A_239] : memref<10112x128xf32, #tpu.memory_space<vmem_shared>> -> memref<10112x128xf32, #tpu.memory_space<vmem_shared>>
        tpu.wait_indirect_dma semaphore(%run_scoped3A : memref<!tpu.dma_semaphore, #tpu.memory_space<semaphore_mem>>) src(%arg13 : memref<72x128xf32, #tpu.memory_space<vmem>>) dst(%dma_wait3A_240 : memref<10112x128xf32, #tpu.memory_space<vmem_shared>>)
        tpu.yield
      }) : () -> ()
      %add3A_150 = arith.constant 4 : i32
      %add3A_151 = arith.addi %add3A_136, %add3A_150 : i32
      %mul3A_152 = arith.constant 72 : i32
      %mul3A_153 = arith.muli %add3A_151, %mul3A_152 : i32
      %add3A_154 = arith.addi %multiple_of3A_5, %mul3A_153 : i32
      %multiple_of3A_155 = tpu.assume_multiple %add3A_154, 8 : i32
      %dma_start3A_156 = tpu.memref_slice %arg4[%multiple_of3A_155] : memref<322560xi32, #tpu.memory_space<hbm>> -> memref<72xi32, #tpu.memory_space<hbm>>
      %dma_start3A_157 = tpu.memref_slice %arg4[%multiple_of3A_155] : memref<322560xi32, #tpu.memory_space<hbm>> -> memref<72xi32, #tpu.memory_space<hbm>>
      tpu.enqueue_dma source(%dma_start3A_157 : memref<72xi32, #tpu.memory_space<hbm>>) target(%arg9 : memref<72xi32, #tpu.memory_space<vmem>>) target_semaphore(%arg22 : memref<!tpu.dma_semaphore, #tpu.memory_space<semaphore_mem>>)
      %add3A_158 = arith.constant 4 : i32
      %add3A_159 = arith.addi %add3A_136, %add3A_158 : i32
      %mul3A_160 = arith.constant 72 : i32
      %mul3A_161 = arith.muli %add3A_159, %mul3A_160 : i32
      %multiple_of3A_162 = tpu.assume_multiple %mul3A_161, 8 : i32
      %dma_start3A_163 = tpu.memref_slice %arg7[%multiple_of3A_162] : memref<10080xi32, #tpu.memory_space<vmem>> -> memref<72xi32, #tpu.memory_space<vmem>>
      %dma_start3A_164 = arith.constant 0 : i32
      %dma_start3A_165 = arith.constant 0 : i32
      %dma_start3A_166 = tpu.memref_slice %arg2[%dma_start3A_164, %dma_start3A_165] : memref<10112x128xf32, #tpu.memory_space<hbm>> -> memref<10112x128xf32, #tpu.memory_space<hbm>>
      tpu.enqueue_indirect_dma source(%dma_start3A_166 : memref<10112x128xf32, #tpu.memory_space<hbm>>) target(%arg13 : memref<72x128xf32, #tpu.memory_space<vmem>>) offsets(%dma_start3A_163 : memref<72xi32, #tpu.memory_space<vmem>>) semaphore(%arg18 : memref<!tpu.dma_semaphore, #tpu.memory_space<semaphore_mem>>)
      %mul3A_167 = arith.constant 4 : i32
      %mul3A_168 = arith.muli %scan3A_98, %mul3A_167 : i32
      %add3A_169 = arith.constant 2 : i32
      %add3A_170 = arith.addi %mul3A_168, %add3A_169 : i32
      %mul3A_171 = arith.constant 72 : i32
      %mul3A_172 = arith.muli %add3A_170, %mul3A_171 : i32
      %multiple_of3A_173 = tpu.assume_multiple %mul3A_172, 8 : i32
      %dma_wait3A_174 = tpu.memref_slice %arg7[%multiple_of3A_173] : memref<10080xi32, #tpu.memory_space<vmem>> -> memref<72xi32, #tpu.memory_space<vmem>>
      %dma_wait3A_175 = arith.constant 0 : i32
      %dma_wait3A_176 = arith.constant 0 : i32
      %dma_wait3A_177 = tpu.memref_slice %arg2[%dma_wait3A_175, %dma_wait3A_176] : memref<10112x128xf32, #tpu.memory_space<hbm>> -> memref<10112x128xf32, #tpu.memory_space<hbm>>
      tpu.wait_indirect_dma semaphore(%arg19 : memref<!tpu.dma_semaphore, #tpu.memory_space<semaphore_mem>>) src(%dma_wait3A_177 : memref<10112x128xf32, #tpu.memory_space<hbm>>) dst(%arg14 : memref<72x128xf32, #tpu.memory_space<vmem>>)
      %mul3A_178 = arith.constant 72 : i32
      %mul3A_179 = arith.muli %add3A_170, %mul3A_178 : i32
      %add3A_180 = arith.addi %multiple_of3A_5, %mul3A_179 : i32
      %multiple_of3A_181 = tpu.assume_multiple %add3A_180, 8 : i32
      %dma_wait3A_182 = tpu.memref_slice %arg4[%multiple_of3A_181] : memref<322560xi32, #tpu.memory_space<hbm>> -> memref<72xi32, #tpu.memory_space<hbm>>
      %dma_wait3A_183 = tpu.memref_slice %arg4[%multiple_of3A_181] : memref<322560xi32, #tpu.memory_space<hbm>> -> memref<72xi32, #tpu.memory_space<hbm>>
      tpu.wait_dma2 semaphore(%arg23 : memref<!tpu.dma_semaphore, #tpu.memory_space<semaphore_mem>>) src(%dma_wait3A_183 : memref<72xi32, #tpu.memory_space<hbm>>) dst(%arg10 : memref<72xi32, #tpu.memory_space<vmem>>)
      "tpu.region"() ({
        %run_scoped3A = tpu.sem_alloc : memref<!tpu.dma_semaphore, #tpu.memory_space<semaphore_mem>>
        %dma_start3A_235 = arith.constant 0 : i32
        %dma_start3A_236 = arith.constant 0 : i32
        %dma_start3A_237 = tpu.memref_slice %arg16[%dma_start3A_235, %dma_start3A_236] : memref<10112x128xf32, #tpu.memory_space<vmem_shared>> -> memref<10112x128xf32, #tpu.memory_space<vmem_shared>>
        tpu.enqueue_indirect_dma source(%arg14 : memref<72x128xf32, #tpu.memory_space<vmem>>) target(%dma_start3A_237 : memref<10112x128xf32, #tpu.memory_space<vmem_shared>>) offsets(%arg10 : memref<72xi32, #tpu.memory_space<vmem>>) semaphore(%run_scoped3A : memref<!tpu.dma_semaphore, #tpu.memory_space<semaphore_mem>>) {add = true}
        %dma_wait3A_238 = arith.constant 0 : i32
        %dma_wait3A_239 = arith.constant 0 : i32
        %dma_wait3A_240 = tpu.memref_slice %arg16[%dma_wait3A_238, %dma_wait3A_239] : memref<10112x128xf32, #tpu.memory_space<vmem_shared>> -> memref<10112x128xf32, #tpu.memory_space<vmem_shared>>
        tpu.wait_indirect_dma semaphore(%run_scoped3A : memref<!tpu.dma_semaphore, #tpu.memory_space<semaphore_mem>>) src(%arg14 : memref<72x128xf32, #tpu.memory_space<vmem>>) dst(%dma_wait3A_240 : memref<10112x128xf32, #tpu.memory_space<vmem_shared>>)
        tpu.yield
      }) : () -> ()
      %add3A_184 = arith.constant 4 : i32
      %add3A_185 = arith.addi %add3A_170, %add3A_184 : i32
      %mul3A_186 = arith.constant 72 : i32
      %mul3A_187 = arith.muli %add3A_185, %mul3A_186 : i32
      %add3A_188 = arith.addi %multiple_of3A_5, %mul3A_187 : i32
      %multiple_of3A_189 = tpu.assume_multiple %add3A_188, 8 : i32
      %dma_start3A_190 = tpu.memref_slice %arg4[%multiple_of3A_189] : memref<322560xi32, #tpu.memory_space<hbm>> -> memref<72xi32, #tpu.memory_space<hbm>>
      %dma_start3A_191 = tpu.memref_slice %arg4[%multiple_of3A_189] : memref<322560xi32, #tpu.memory_space<hbm>> -> memref<72xi32, #tpu.memory_space<hbm>>
      tpu.enqueue_dma source(%dma_start3A_191 : memref<72xi32, #tpu.memory_space<hbm>>) target(%arg10 : memref<72xi32, #tpu.memory_space<vmem>>) target_semaphore(%arg23 : memref<!tpu.dma_semaphore, #tpu.memory_space<semaphore_mem>>)
      %add3A_192 = arith.constant 4 : i32
      %add3A_193 = arith.addi %add3A_170, %add3A_192 : i32
      %mul3A_194 = arith.constant 72 : i32
      %mul3A_195 = arith.muli %add3A_193, %mul3A_194 : i32
      %multiple_of3A_196 = tpu.assume_multiple %mul3A_195, 8 : i32
      %dma_start3A_197 = tpu.memref_slice %arg7[%multiple_of3A_196] : memref<10080xi32, #tpu.memory_space<vmem>> -> memref<72xi32, #tpu.memory_space<vmem>>
      %dma_start3A_198 = arith.constant 0 : i32
      %dma_start3A_199 = arith.constant 0 : i32
      %dma_start3A_200 = tpu.memref_slice %arg2[%dma_start3A_198, %dma_start3A_199] : memref<10112x128xf32, #tpu.memory_space<hbm>> -> memref<10112x128xf32, #tpu.memory_space<hbm>>
      tpu.enqueue_indirect_dma source(%dma_start3A_200 : memref<10112x128xf32, #tpu.memory_space<hbm>>) target(%arg14 : memref<72x128xf32, #tpu.memory_space<vmem>>) offsets(%dma_start3A_197 : memref<72xi32, #tpu.memory_space<vmem>>) semaphore(%arg19 : memref<!tpu.dma_semaphore, #tpu.memory_space<semaphore_mem>>)
      %mul3A_201 = arith.constant 4 : i32
      %mul3A_202 = arith.muli %scan3A_98, %mul3A_201 : i32
      %add3A_203 = arith.constant 3 : i32
      %add3A_204 = arith.addi %mul3A_202, %add3A_203 : i32
      %mul3A_205 = arith.constant 72 : i32
      %mul3A_206 = arith.muli %add3A_204, %mul3A_205 : i32
      %multiple_of3A_207 = tpu.assume_multiple %mul3A_206, 8 : i32
      %dma_wait3A_208 = tpu.memref_slice %arg7[%multiple_of3A_207] : memref<10080xi32, #tpu.memory_space<vmem>> -> memref<72xi32, #tpu.memory_space<vmem>>
      %dma_wait3A_209 = arith.constant 0 : i32
      %dma_wait3A_210 = arith.constant 0 : i32
      %dma_wait3A_211 = tpu.memref_slice %arg2[%dma_wait3A_209, %dma_wait3A_210] : memref<10112x128xf32, #tpu.memory_space<hbm>> -> memref<10112x128xf32, #tpu.memory_space<hbm>>
      tpu.wait_indirect_dma semaphore(%arg20 : memref<!tpu.dma_semaphore, #tpu.memory_space<semaphore_mem>>) src(%dma_wait3A_211 : memref<10112x128xf32, #tpu.memory_space<hbm>>) dst(%arg15 : memref<72x128xf32, #tpu.memory_space<vmem>>)
      %mul3A_212 = arith.constant 72 : i32
      %mul3A_213 = arith.muli %add3A_204, %mul3A_212 : i32
      %add3A_214 = arith.addi %multiple_of3A_5, %mul3A_213 : i32
      %multiple_of3A_215 = tpu.assume_multiple %add3A_214, 8 : i32
      %dma_wait3A_216 = tpu.memref_slice %arg4[%multiple_of3A_215] : memref<322560xi32, #tpu.memory_space<hbm>> -> memref<72xi32, #tpu.memory_space<hbm>>
      %dma_wait3A_217 = tpu.memref_slice %arg4[%multiple_of3A_215] : memref<322560xi32, #tpu.memory_space<hbm>> -> memref<72xi32, #tpu.memory_space<hbm>>
      tpu.wait_dma2 semaphore(%arg24 : memref<!tpu.dma_semaphore, #tpu.memory_space<semaphore_mem>>) src(%dma_wait3A_217 : memref<72xi32, #tpu.memory_space<hbm>>) dst(%arg11 : memref<72xi32, #tpu.memory_space<vmem>>)
      "tpu.region"() ({
        %run_scoped3A = tpu.sem_alloc : memref<!tpu.dma_semaphore, #tpu.memory_space<semaphore_mem>>
        %dma_start3A_235 = arith.constant 0 : i32
        %dma_start3A_236 = arith.constant 0 : i32
        %dma_start3A_237 = tpu.memref_slice %arg16[%dma_start3A_235, %dma_start3A_236] : memref<10112x128xf32, #tpu.memory_space<vmem_shared>> -> memref<10112x128xf32, #tpu.memory_space<vmem_shared>>
        tpu.enqueue_indirect_dma source(%arg15 : memref<72x128xf32, #tpu.memory_space<vmem>>) target(%dma_start3A_237 : memref<10112x128xf32, #tpu.memory_space<vmem_shared>>) offsets(%arg11 : memref<72xi32, #tpu.memory_space<vmem>>) semaphore(%run_scoped3A : memref<!tpu.dma_semaphore, #tpu.memory_space<semaphore_mem>>) {add = true}
        %dma_wait3A_238 = arith.constant 0 : i32
        %dma_wait3A_239 = arith.constant 0 : i32
        %dma_wait3A_240 = tpu.memref_slice %arg16[%dma_wait3A_238, %dma_wait3A_239] : memref<10112x128xf32, #tpu.memory_space<vmem_shared>> -> memref<10112x128xf32, #tpu.memory_space<vmem_shared>>
        tpu.wait_indirect_dma semaphore(%run_scoped3A : memref<!tpu.dma_semaphore, #tpu.memory_space<semaphore_mem>>) src(%arg15 : memref<72x128xf32, #tpu.memory_space<vmem>>) dst(%dma_wait3A_240 : memref<10112x128xf32, #tpu.memory_space<vmem_shared>>)
        tpu.yield
      }) : () -> ()
      %add3A_218 = arith.constant 4 : i32
      %add3A_219 = arith.addi %add3A_204, %add3A_218 : i32
      %mul3A_220 = arith.constant 72 : i32
      %mul3A_221 = arith.muli %add3A_219, %mul3A_220 : i32
      %add3A_222 = arith.addi %multiple_of3A_5, %mul3A_221 : i32
      %multiple_of3A_223 = tpu.assume_multiple %add3A_222, 8 : i32
      %dma_start3A_224 = tpu.memref_slice %arg4[%multiple_of3A_223] : memref<322560xi32, #tpu.memory_space<hbm>> -> memref<72xi32, #tpu.memory_space<hbm>>
      %dma_start3A_225 = tpu.memref_slice %arg4[%multiple_of3A_223] : memref<322560xi32, #tpu.memory_space<hbm>> -> memref<72xi32, #tpu.memory_space<hbm>>
      tpu.enqueue_dma source(%dma_start3A_225 : memref<72xi32, #tpu.memory_space<hbm>>) target(%arg11 : memref<72xi32, #tpu.memory_space<vmem>>) target_semaphore(%arg24 : memref<!tpu.dma_semaphore, #tpu.memory_space<semaphore_mem>>)
      %add3A_226 = arith.constant 4 : i32
      %add3A_227 = arith.addi %add3A_204, %add3A_226 : i32
      %mul3A_228 = arith.constant 72 : i32
      %mul3A_229 = arith.muli %add3A_227, %mul3A_228 : i32
      %multiple_of3A_230 = tpu.assume_multiple %mul3A_229, 8 : i32
      %dma_start3A_231 = tpu.memref_slice %arg7[%multiple_of3A_230] : memref<10080xi32, #tpu.memory_space<vmem>> -> memref<72xi32, #tpu.memory_space<vmem>>
      %dma_start3A_232 = arith.constant 0 : i32
      %dma_start3A_233 = arith.constant 0 : i32
      %dma_start3A_234 = tpu.memref_slice %arg2[%dma_start3A_232, %dma_start3A_233] : memref<10112x128xf32, #tpu.memory_space<hbm>> -> memref<10112x128xf32, #tpu.memory_space<hbm>>
      tpu.enqueue_indirect_dma source(%dma_start3A_234 : memref<10112x128xf32, #tpu.memory_space<hbm>>) target(%arg15 : memref<72x128xf32, #tpu.memory_space<vmem>>) offsets(%dma_start3A_231 : memref<72xi32, #tpu.memory_space<vmem>>) semaphore(%arg20 : memref<!tpu.dma_semaphore, #tpu.memory_space<semaphore_mem>>)
    }
    %scan3A_53 = arith.constant 34 : i32
    %multiple_of3A_54 = arith.constant 9792 : i32
    %multiple_of3A_55 = tpu.assume_multiple %multiple_of3A_54, 8 : i32
    %dma_wait3A = tpu.memref_slice %arg7[%multiple_of3A_55] : memref<10080xi32, #tpu.memory_space<vmem>> -> memref<72xi32, #tpu.memory_space<vmem>>
    %dma_wait3A_56 = arith.constant 0 : i32
    %dma_wait3A_57 = arith.constant 0 : i32
    %dma_wait3A_58 = tpu.memref_slice %arg2[%dma_wait3A_56, %dma_wait3A_57] : memref<10112x128xf32, #tpu.memory_space<hbm>> -> memref<10112x128xf32, #tpu.memory_space<hbm>>
    tpu.wait_indirect_dma semaphore(%arg17 : memref<!tpu.dma_semaphore, #tpu.memory_space<semaphore_mem>>) src(%dma_wait3A_58 : memref<10112x128xf32, #tpu.memory_space<hbm>>) dst(%arg12 : memref<72x128xf32, #tpu.memory_space<vmem>>)
    %add3A_59 = arith.constant 9792 : i32
    %add3A_60 = arith.addi %multiple_of3A_5, %add3A_59 : i32
    %multiple_of3A_61 = tpu.assume_multiple %add3A_60, 8 : i32
    %dma_wait3A_62 = tpu.memref_slice %arg4[%multiple_of3A_61] : memref<322560xi32, #tpu.memory_space<hbm>> -> memref<72xi32, #tpu.memory_space<hbm>>
    %dma_wait3A_63 = tpu.memref_slice %arg4[%multiple_of3A_61] : memref<322560xi32, #tpu.memory_space<hbm>> -> memref<72xi32, #tpu.memory_space<hbm>>
    tpu.wait_dma2 semaphore(%arg21 : memref<!tpu.dma_semaphore, #tpu.memory_space<semaphore_mem>>) src(%dma_wait3A_63 : memref<72xi32, #tpu.memory_space<hbm>>) dst(%arg8 : memref<72xi32, #tpu.memory_space<vmem>>)
    "tpu.region"() ({
      %run_scoped3A = tpu.sem_alloc : memref<!tpu.dma_semaphore, #tpu.memory_space<semaphore_mem>>
      %dma_start3A_98 = arith.constant 0 : i32
      %dma_start3A_99 = arith.constant 0 : i32
      %dma_start3A_100 = tpu.memref_slice %arg16[%dma_start3A_98, %dma_start3A_99] : memref<10112x128xf32, #tpu.memory_space<vmem_shared>> -> memref<10112x128xf32, #tpu.memory_space<vmem_shared>>
      tpu.enqueue_indirect_dma source(%arg12 : memref<72x128xf32, #tpu.memory_space<vmem>>) target(%dma_start3A_100 : memref<10112x128xf32, #tpu.memory_space<vmem_shared>>) offsets(%arg8 : memref<72xi32, #tpu.memory_space<vmem>>) semaphore(%run_scoped3A : memref<!tpu.dma_semaphore, #tpu.memory_space<semaphore_mem>>) {add = true}
      %dma_wait3A_101 = arith.constant 0 : i32
      %dma_wait3A_102 = arith.constant 0 : i32
      %dma_wait3A_103 = tpu.memref_slice %arg16[%dma_wait3A_101, %dma_wait3A_102] : memref<10112x128xf32, #tpu.memory_space<vmem_shared>> -> memref<10112x128xf32, #tpu.memory_space<vmem_shared>>
      tpu.wait_indirect_dma semaphore(%run_scoped3A : memref<!tpu.dma_semaphore, #tpu.memory_space<semaphore_mem>>) src(%arg12 : memref<72x128xf32, #tpu.memory_space<vmem>>) dst(%dma_wait3A_103 : memref<10112x128xf32, #tpu.memory_space<vmem_shared>>)
      tpu.yield
    }) : () -> ()
    %multiple_of3A_64 = arith.constant 9864 : i32
    %multiple_of3A_65 = tpu.assume_multiple %multiple_of3A_64, 8 : i32
    %dma_wait3A_66 = tpu.memref_slice %arg7[%multiple_of3A_65] : memref<10080xi32, #tpu.memory_space<vmem>> -> memref<72xi32, #tpu.memory_space<vmem>>
    %dma_wait3A_67 = arith.constant 0 : i32
    %dma_wait3A_68 = arith.constant 0 : i32
    %dma_wait3A_69 = tpu.memref_slice %arg2[%dma_wait3A_67, %dma_wait3A_68] : memref<10112x128xf32, #tpu.memory_space<hbm>> -> memref<10112x128xf32, #tpu.memory_space<hbm>>
    tpu.wait_indirect_dma semaphore(%arg18 : memref<!tpu.dma_semaphore, #tpu.memory_space<semaphore_mem>>) src(%dma_wait3A_69 : memref<10112x128xf32, #tpu.memory_space<hbm>>) dst(%arg13 : memref<72x128xf32, #tpu.memory_space<vmem>>)
    %add3A_70 = arith.constant 9864 : i32
    %add3A_71 = arith.addi %multiple_of3A_5, %add3A_70 : i32
    %multiple_of3A_72 = tpu.assume_multiple %add3A_71, 8 : i32
    %dma_wait3A_73 = tpu.memref_slice %arg4[%multiple_of3A_72] : memref<322560xi32, #tpu.memory_space<hbm>> -> memref<72xi32, #tpu.memory_space<hbm>>
    %dma_wait3A_74 = tpu.memref_slice %arg4[%multiple_of3A_72] : memref<322560xi32, #tpu.memory_space<hbm>> -> memref<72xi32, #tpu.memory_space<hbm>>
    tpu.wait_dma2 semaphore(%arg22 : memref<!tpu.dma_semaphore, #tpu.memory_space<semaphore_mem>>) src(%dma_wait3A_74 : memref<72xi32, #tpu.memory_space<hbm>>) dst(%arg9 : memref<72xi32, #tpu.memory_space<vmem>>)
    "tpu.region"() ({
      %run_scoped3A = tpu.sem_alloc : memref<!tpu.dma_semaphore, #tpu.memory_space<semaphore_mem>>
      %dma_start3A_98 = arith.constant 0 : i32
      %dma_start3A_99 = arith.constant 0 : i32
      %dma_start3A_100 = tpu.memref_slice %arg16[%dma_start3A_98, %dma_start3A_99] : memref<10112x128xf32, #tpu.memory_space<vmem_shared>> -> memref<10112x128xf32, #tpu.memory_space<vmem_shared>>
      tpu.enqueue_indirect_dma source(%arg13 : memref<72x128xf32, #tpu.memory_space<vmem>>) target(%dma_start3A_100 : memref<10112x128xf32, #tpu.memory_space<vmem_shared>>) offsets(%arg9 : memref<72xi32, #tpu.memory_space<vmem>>) semaphore(%run_scoped3A : memref<!tpu.dma_semaphore, #tpu.memory_space<semaphore_mem>>) {add = true}
      %dma_wait3A_101 = arith.constant 0 : i32
      %dma_wait3A_102 = arith.constant 0 : i32
      %dma_wait3A_103 = tpu.memref_slice %arg16[%dma_wait3A_101, %dma_wait3A_102] : memref<10112x128xf32, #tpu.memory_space<vmem_shared>> -> memref<10112x128xf32, #tpu.memory_space<vmem_shared>>
      tpu.wait_indirect_dma semaphore(%run_scoped3A : memref<!tpu.dma_semaphore, #tpu.memory_space<semaphore_mem>>) src(%arg13 : memref<72x128xf32, #tpu.memory_space<vmem>>) dst(%dma_wait3A_103 : memref<10112x128xf32, #tpu.memory_space<vmem_shared>>)
      tpu.yield
    }) : () -> ()
    %multiple_of3A_75 = arith.constant 9936 : i32
    %multiple_of3A_76 = tpu.assume_multiple %multiple_of3A_75, 8 : i32
    %dma_wait3A_77 = tpu.memref_slice %arg7[%multiple_of3A_76] : memref<10080xi32, #tpu.memory_space<vmem>> -> memref<72xi32, #tpu.memory_space<vmem>>
    %dma_wait3A_78 = arith.constant 0 : i32
    %dma_wait3A_79 = arith.constant 0 : i32
    %dma_wait3A_80 = tpu.memref_slice %arg2[%dma_wait3A_78, %dma_wait3A_79] : memref<10112x128xf32, #tpu.memory_space<hbm>> -> memref<10112x128xf32, #tpu.memory_space<hbm>>
    tpu.wait_indirect_dma semaphore(%arg19 : memref<!tpu.dma_semaphore, #tpu.memory_space<semaphore_mem>>) src(%dma_wait3A_80 : memref<10112x128xf32, #tpu.memory_space<hbm>>) dst(%arg14 : memref<72x128xf32, #tpu.memory_space<vmem>>)
    %add3A_81 = arith.constant 9936 : i32
    %add3A_82 = arith.addi %multiple_of3A_5, %add3A_81 : i32
    %multiple_of3A_83 = tpu.assume_multiple %add3A_82, 8 : i32
    %dma_wait3A_84 = tpu.memref_slice %arg4[%multiple_of3A_83] : memref<322560xi32, #tpu.memory_space<hbm>> -> memref<72xi32, #tpu.memory_space<hbm>>
    %dma_wait3A_85 = tpu.memref_slice %arg4[%multiple_of3A_83] : memref<322560xi32, #tpu.memory_space<hbm>> -> memref<72xi32, #tpu.memory_space<hbm>>
    tpu.wait_dma2 semaphore(%arg23 : memref<!tpu.dma_semaphore, #tpu.memory_space<semaphore_mem>>) src(%dma_wait3A_85 : memref<72xi32, #tpu.memory_space<hbm>>) dst(%arg10 : memref<72xi32, #tpu.memory_space<vmem>>)
    "tpu.region"() ({
      %run_scoped3A = tpu.sem_alloc : memref<!tpu.dma_semaphore, #tpu.memory_space<semaphore_mem>>
      %dma_start3A_98 = arith.constant 0 : i32
      %dma_start3A_99 = arith.constant 0 : i32
      %dma_start3A_100 = tpu.memref_slice %arg16[%dma_start3A_98, %dma_start3A_99] : memref<10112x128xf32, #tpu.memory_space<vmem_shared>> -> memref<10112x128xf32, #tpu.memory_space<vmem_shared>>
      tpu.enqueue_indirect_dma source(%arg14 : memref<72x128xf32, #tpu.memory_space<vmem>>) target(%dma_start3A_100 : memref<10112x128xf32, #tpu.memory_space<vmem_shared>>) offsets(%arg10 : memref<72xi32, #tpu.memory_space<vmem>>) semaphore(%run_scoped3A : memref<!tpu.dma_semaphore, #tpu.memory_space<semaphore_mem>>) {add = true}
      %dma_wait3A_101 = arith.constant 0 : i32
      %dma_wait3A_102 = arith.constant 0 : i32
      %dma_wait3A_103 = tpu.memref_slice %arg16[%dma_wait3A_101, %dma_wait3A_102] : memref<10112x128xf32, #tpu.memory_space<vmem_shared>> -> memref<10112x128xf32, #tpu.memory_space<vmem_shared>>
      tpu.wait_indirect_dma semaphore(%run_scoped3A : memref<!tpu.dma_semaphore, #tpu.memory_space<semaphore_mem>>) src(%arg14 : memref<72x128xf32, #tpu.memory_space<vmem>>) dst(%dma_wait3A_103 : memref<10112x128xf32, #tpu.memory_space<vmem_shared>>)
      tpu.yield
    }) : () -> ()
    %multiple_of3A_86 = arith.constant 10008 : i32
    %multiple_of3A_87 = tpu.assume_multiple %multiple_of3A_86, 8 : i32
    %dma_wait3A_88 = tpu.memref_slice %arg7[%multiple_of3A_87] : memref<10080xi32, #tpu.memory_space<vmem>> -> memref<72xi32, #tpu.memory_space<vmem>>
    %dma_wait3A_89 = arith.constant 0 : i32
    %dma_wait3A_90 = arith.constant 0 : i32
    %dma_wait3A_91 = tpu.memref_slice %arg2[%dma_wait3A_89, %dma_wait3A_90] : memref<10112x128xf32, #tpu.memory_space<hbm>> -> memref<10112x128xf32, #tpu.memory_space<hbm>>
    tpu.wait_indirect_dma semaphore(%arg20 : memref<!tpu.dma_semaphore, #tpu.memory_space<semaphore_mem>>) src(%dma_wait3A_91 : memref<10112x128xf32, #tpu.memory_space<hbm>>) dst(%arg15 : memref<72x128xf32, #tpu.memory_space<vmem>>)
    %add3A_92 = arith.constant 10008 : i32
    %add3A_93 = arith.addi %multiple_of3A_5, %add3A_92 : i32
    %multiple_of3A_94 = tpu.assume_multiple %add3A_93, 8 : i32
    %dma_wait3A_95 = tpu.memref_slice %arg4[%multiple_of3A_94] : memref<322560xi32, #tpu.memory_space<hbm>> -> memref<72xi32, #tpu.memory_space<hbm>>
    %dma_wait3A_96 = tpu.memref_slice %arg4[%multiple_of3A_94] : memref<322560xi32, #tpu.memory_space<hbm>> -> memref<72xi32, #tpu.memory_space<hbm>>
    tpu.wait_dma2 semaphore(%arg24 : memref<!tpu.dma_semaphore, #tpu.memory_space<semaphore_mem>>) src(%dma_wait3A_96 : memref<72xi32, #tpu.memory_space<hbm>>) dst(%arg11 : memref<72xi32, #tpu.memory_space<vmem>>)
    "tpu.region"() ({
      %run_scoped3A = tpu.sem_alloc : memref<!tpu.dma_semaphore, #tpu.memory_space<semaphore_mem>>
      %dma_start3A_98 = arith.constant 0 : i32
      %dma_start3A_99 = arith.constant 0 : i32
      %dma_start3A_100 = tpu.memref_slice %arg16[%dma_start3A_98, %dma_start3A_99] : memref<10112x128xf32, #tpu.memory_space<vmem_shared>> -> memref<10112x128xf32, #tpu.memory_space<vmem_shared>>
      tpu.enqueue_indirect_dma source(%arg15 : memref<72x128xf32, #tpu.memory_space<vmem>>) target(%dma_start3A_100 : memref<10112x128xf32, #tpu.memory_space<vmem_shared>>) offsets(%arg11 : memref<72xi32, #tpu.memory_space<vmem>>) semaphore(%run_scoped3A : memref<!tpu.dma_semaphore, #tpu.memory_space<semaphore_mem>>) {add = true}
      %dma_wait3A_101 = arith.constant 0 : i32
      %dma_wait3A_102 = arith.constant 0 : i32
      %dma_wait3A_103 = tpu.memref_slice %arg16[%dma_wait3A_101, %dma_wait3A_102] : memref<10112x128xf32, #tpu.memory_space<vmem_shared>> -> memref<10112x128xf32, #tpu.memory_space<vmem_shared>>
      tpu.wait_indirect_dma semaphore(%run_scoped3A : memref<!tpu.dma_semaphore, #tpu.memory_space<semaphore_mem>>) src(%arg15 : memref<72x128xf32, #tpu.memory_space<vmem>>) dst(%dma_wait3A_103 : memref<10112x128xf32, #tpu.memory_space<vmem_shared>>)
      tpu.yield
    }) : () -> ()
    %barrier3A_97 = arith.constant 0 : index
    tpu.barrier barrier_id(%barrier3A_97)
    "tpu.region"() ({
      %run_scoped3A = tpu.sem_alloc : memref<!tpu.dma_semaphore, #tpu.memory_space<semaphore_mem>>
      %dma_start3A_98 = arith.constant 0 : i32
      %dma_start3A_99 = tpu.memref_slice %arg6[%arg0, %multiple_of3A, %dma_start3A_98] : memref<2x10112x128xf32, #tpu.memory_space<hbm>> -> memref<1x632x128xf32, #tpu.memory_space<hbm>>
      %dma_start3A_100 = tpu.memref_squeeze %dma_start3A_99 : memref<1x632x128xf32, #tpu.memory_space<hbm>> -> memref<632x128xf32, #tpu.memory_space<hbm>>
      %dma_start3A_101 = arith.constant 0 : i32
      %dma_start3A_102 = tpu.memref_slice %arg16[%multiple_of3A, %dma_start3A_101] : memref<10112x128xf32, #tpu.memory_space<vmem_shared>> -> memref<632x128xf32, #tpu.memory_space<vmem_shared>>
      tpu.enqueue_dma source(%dma_start3A_102 : memref<632x128xf32, #tpu.memory_space<vmem_shared>>) target(%dma_start3A_100 : memref<632x128xf32, #tpu.memory_space<hbm>>) target_semaphore(%run_scoped3A : memref<!tpu.dma_semaphore, #tpu.memory_space<semaphore_mem>>)
      %dma_wait3A_103 = arith.constant 0 : i32
      %dma_wait3A_104 = tpu.memref_slice %arg6[%arg0, %multiple_of3A, %dma_wait3A_103] : memref<2x10112x128xf32, #tpu.memory_space<hbm>> -> memref<1x632x128xf32, #tpu.memory_space<hbm>>
      %dma_wait3A_105 = tpu.memref_squeeze %dma_wait3A_104 : memref<1x632x128xf32, #tpu.memory_space<hbm>> -> memref<632x128xf32, #tpu.memory_space<hbm>>
      %dma_wait3A_106 = arith.constant 0 : i32
      %dma_wait3A_107 = tpu.memref_slice %arg16[%multiple_of3A, %dma_wait3A_106] : memref<10112x128xf32, #tpu.memory_space<vmem_shared>> -> memref<632x128xf32, #tpu.memory_space<vmem_shared>>
      tpu.wait_dma2 semaphore(%run_scoped3A : memref<!tpu.dma_semaphore, #tpu.memory_space<semaphore_mem>>) src(%dma_wait3A_107 : memref<632x128xf32, #tpu.memory_space<vmem_shared>>) dst(%dma_wait3A_105 : memref<632x128xf32, #tpu.memory_space<hbm>>)
      tpu.yield
    }) : () -> ()
    return
  }
}

#map = affine_map<(d0, d1) -> (0)>
#map1 = affine_map<(d0, d1) -> (0, 0)>
module attributes {stable_mosaic.version = 14 : i64} {
  func.func @_deg_body(%arg0: i32, %arg1: i32, %arg2: memref<322560xi32, #tpu.memory_space<hbm>>, %arg3: memref<322560xi32, #tpu.memory_space<hbm>>, %arg4: memref<32x10112xf32, #tpu.memory_space<hbm>>, %arg5: memref<32x10112xf32, #tpu.memory_space<hbm>>, %arg6: memref<10080xi32, #tpu.memory_space<vmem>>, %arg7: memref<10080xi32, #tpu.memory_space<vmem>>, %arg8: memref<10112xf32, #tpu.memory_space<vmem>>, %arg9: memref<10112xf32, #tpu.memory_space<vmem>>, %arg10: memref<!tpu.dma_semaphore, #tpu.memory_space<semaphore_mem>>) attributes {dimension_semantics = [#tpu.dimension_semantics<core_parallel>, #tpu.dimension_semantics<subcore_parallel>], iteration_bounds = array<i64: 2, 16>, scalar_prefetch = 0 : i64, scratch_operands = 5 : i64, tpu.core_type = #tpu.core_type<sc_vector_subcore>, window_params = [{transform_indices = #map}, {transform_indices = #map}, {transform_indices = #map1}, {transform_indices = #map1}]} {
    %mul3A = arith.constant 16 : i32
    %mul3A_0 = arith.muli %arg0, %mul3A : i32
    %add3A = arith.addi %mul3A_0, %arg1 : i32
    %scan3A = arith.constant 0 : i32
    %scan3A_1 = arith.constant 0 : i32
    %scan3A_2 = arith.constant 632 : i32
    %scan3A_3 = arith.addi %scan3A_1, %scan3A_2 : i32
    %scan3A_4 = arith.constant 1 : i32
    scf.for %scan3A_15 = %scan3A_1 to %scan3A_3 step %scan3A_4  : i32 {
      %broadcast_in_dim3A_16 = arith.constant 0.000000e+00 : f32
      %broadcast_in_dim3A_17 = vector.broadcast %broadcast_in_dim3A_16 : f32 to vector<16xf32>
      %mul3A_18 = arith.constant 16 : i32
      %mul3A_19 = arith.muli %scan3A_15, %mul3A_18 : i32
      %swap3A = arith.index_cast %mul3A_19 : i32 to index
      %swap3A_20 = tpu.vector_load %arg8[%swap3A] {strides = array<i32>} : memref<10112xf32, #tpu.memory_space<vmem>>, vector<16xf32>,
      tpu.vector_store %arg8[%swap3A], %broadcast_in_dim3A_17 {strides = array<i32>} : memref<10112xf32, #tpu.memory_space<vmem>>, vector<16xf32>,
      %broadcast_in_dim3A_21 = arith.constant 0.000000e+00 : f32
      %broadcast_in_dim3A_22 = vector.broadcast %broadcast_in_dim3A_21 : f32 to vector<16xf32>
      %mul3A_23 = arith.constant 16 : i32
      %mul3A_24 = arith.muli %scan3A_15, %mul3A_23 : i32
      %swap3A_25 = arith.index_cast %mul3A_24 : i32 to index
      %swap3A_26 = tpu.vector_load %arg9[%swap3A_25] {strides = array<i32>} : memref<10112xf32, #tpu.memory_space<vmem>>, vector<16xf32>,
      tpu.vector_store %arg9[%swap3A_25], %broadcast_in_dim3A_22 {strides = array<i32>} : memref<10112xf32, #tpu.memory_space<vmem>>, vector<16xf32>,
    }
    %scan3A_5 = arith.constant 632 : i32
    %mul3A_6 = arith.constant 10080 : i32
    %mul3A_7 = arith.muli %add3A, %mul3A_6 : i32
    %multiple_of3A = tpu.assume_multiple %mul3A_7, 8 : i32
    "tpu.region"() ({
      %run_scoped3A = tpu.sem_alloc : memref<!tpu.dma_semaphore, #tpu.memory_space<semaphore_mem>>
      %dma_start3A = tpu.memref_slice %arg2[%multiple_of3A] : memref<322560xi32, #tpu.memory_space<hbm>> -> memref<10080xi32, #tpu.memory_space<hbm>>
      %dma_start3A_15 = tpu.memref_slice %arg2[%multiple_of3A] : memref<322560xi32, #tpu.memory_space<hbm>> -> memref<10080xi32, #tpu.memory_space<hbm>>
      tpu.enqueue_dma source(%dma_start3A_15 : memref<10080xi32, #tpu.memory_space<hbm>>) target(%arg6 : memref<10080xi32, #tpu.memory_space<vmem>>) target_semaphore(%run_scoped3A : memref<!tpu.dma_semaphore, #tpu.memory_space<semaphore_mem>>)
      %dma_wait3A = tpu.memref_slice %arg2[%multiple_of3A] : memref<322560xi32, #tpu.memory_space<hbm>> -> memref<10080xi32, #tpu.memory_space<hbm>>
      %dma_wait3A_16 = tpu.memref_slice %arg2[%multiple_of3A] : memref<322560xi32, #tpu.memory_space<hbm>> -> memref<10080xi32, #tpu.memory_space<hbm>>
      tpu.wait_dma2 semaphore(%run_scoped3A : memref<!tpu.dma_semaphore, #tpu.memory_space<semaphore_mem>>) src(%dma_wait3A_16 : memref<10080xi32, #tpu.memory_space<hbm>>) dst(%arg6 : memref<10080xi32, #tpu.memory_space<vmem>>)
      tpu.yield
    }) : () -> ()
    "tpu.region"() ({
      %run_scoped3A = tpu.sem_alloc : memref<!tpu.dma_semaphore, #tpu.memory_space<semaphore_mem>>
      %dma_start3A = tpu.memref_slice %arg3[%multiple_of3A] : memref<322560xi32, #tpu.memory_space<hbm>> -> memref<10080xi32, #tpu.memory_space<hbm>>
      %dma_start3A_15 = tpu.memref_slice %arg3[%multiple_of3A] : memref<322560xi32, #tpu.memory_space<hbm>> -> memref<10080xi32, #tpu.memory_space<hbm>>
      tpu.enqueue_dma source(%dma_start3A_15 : memref<10080xi32, #tpu.memory_space<hbm>>) target(%arg7 : memref<10080xi32, #tpu.memory_space<vmem>>) target_semaphore(%run_scoped3A : memref<!tpu.dma_semaphore, #tpu.memory_space<semaphore_mem>>)
      %dma_wait3A = tpu.memref_slice %arg3[%multiple_of3A] : memref<322560xi32, #tpu.memory_space<hbm>> -> memref<10080xi32, #tpu.memory_space<hbm>>
      %dma_wait3A_16 = tpu.memref_slice %arg3[%multiple_of3A] : memref<322560xi32, #tpu.memory_space<hbm>> -> memref<10080xi32, #tpu.memory_space<hbm>>
      tpu.wait_dma2 semaphore(%run_scoped3A : memref<!tpu.dma_semaphore, #tpu.memory_space<semaphore_mem>>) src(%dma_wait3A_16 : memref<10080xi32, #tpu.memory_space<hbm>>) dst(%arg7 : memref<10080xi32, #tpu.memory_space<vmem>>)
      tpu.yield
    }) : () -> ()
    %broadcast_in_dim3A = arith.constant 1.000000e+00 : f32
    %broadcast_in_dim3A_8 = vector.broadcast %broadcast_in_dim3A : f32 to vector<16xf32>
    %scan3A_9 = arith.constant 0 : i32
    %scan3A_10 = arith.constant 0 : i32
    %scan3A_11 = arith.constant 630 : i32
    %scan3A_12 = arith.addi %scan3A_10, %scan3A_11 : i32
    %scan3A_13 = arith.constant 1 : i32
    scf.for %scan3A_15 = %scan3A_10 to %scan3A_12 step %scan3A_13  : i32 {
      %mul3A_16 = arith.constant 16 : i32
      %mul3A_17 = arith.muli %scan3A_15, %mul3A_16 : i32
      %get3A = arith.index_cast %mul3A_17 : i32 to index
      %get3A_18 = tpu.vector_load %arg6[%get3A] {strides = array<i32>} : memref<10080xi32, #tpu.memory_space<vmem>>, vector<16xi32>,
      tpu.vector_store_idx %arg8[%get3A_18], %broadcast_in_dim3A_8 {add = true} : memref<10112xf32, #tpu.memory_space<vmem>>[vector<16xi32>], vector<16xf32>,
      %mul3A_19 = arith.constant 16 : i32
      %mul3A_20 = arith.muli %scan3A_15, %mul3A_19 : i32
      %get3A_21 = arith.index_cast %mul3A_20 : i32 to index
      %get3A_22 = tpu.vector_load %arg7[%get3A_21] {strides = array<i32>} : memref<10080xi32, #tpu.memory_space<vmem>>, vector<16xi32>,
      tpu.vector_store_idx %arg9[%get3A_22], %broadcast_in_dim3A_8 {add = true} : memref<10112xf32, #tpu.memory_space<vmem>>[vector<16xi32>], vector<16xf32>,
    }
    %scan3A_14 = arith.constant 630 : i32
    "tpu.region"() ({
      %run_scoped3A = tpu.sem_alloc : memref<!tpu.dma_semaphore, #tpu.memory_space<semaphore_mem>>
      %dma_start3A = arith.constant 0 : i32
      %dma_start3A_15 = tpu.memref_slice %arg4[%add3A, %dma_start3A] : memref<32x10112xf32, #tpu.memory_space<hbm>> -> memref<1x10112xf32, #tpu.memory_space<hbm>>
      %dma_start3A_16 = tpu.memref_squeeze %dma_start3A_15 : memref<1x10112xf32, #tpu.memory_space<hbm>> -> memref<10112xf32, #tpu.memory_space<hbm>>
      %dma_start3A_17 = arith.constant 0 : i32
      %dma_start3A_18 = tpu.memref_slice %arg4[%add3A, %dma_start3A_17] : memref<32x10112xf32, #tpu.memory_space<hbm>> -> memref<1x10112xf32, #tpu.memory_space<hbm>>
      %dma_start3A_19 = tpu.memref_squeeze %dma_start3A_18 : memref<1x10112xf32, #tpu.memory_space<hbm>> -> memref<10112xf32, #tpu.memory_space<hbm>>
      tpu.enqueue_dma source(%arg8 : memref<10112xf32, #tpu.memory_space<vmem>>) target(%dma_start3A_19 : memref<10112xf32, #tpu.memory_space<hbm>>) target_semaphore(%run_scoped3A : memref<!tpu.dma_semaphore, #tpu.memory_space<semaphore_mem>>)
      %dma_wait3A = arith.constant 0 : i32
      %dma_wait3A_20 = tpu.memref_slice %arg4[%add3A, %dma_wait3A] : memref<32x10112xf32, #tpu.memory_space<hbm>> -> memref<1x10112xf32, #tpu.memory_space<hbm>>
      %dma_wait3A_21 = tpu.memref_squeeze %dma_wait3A_20 : memref<1x10112xf32, #tpu.memory_space<hbm>> -> memref<10112xf32, #tpu.memory_space<hbm>>
      %dma_wait3A_22 = arith.constant 0 : i32
      %dma_wait3A_23 = tpu.memref_slice %arg4[%add3A, %dma_wait3A_22] : memref<32x10112xf32, #tpu.memory_space<hbm>> -> memref<1x10112xf32, #tpu.memory_space<hbm>>
      %dma_wait3A_24 = tpu.memref_squeeze %dma_wait3A_23 : memref<1x10112xf32, #tpu.memory_space<hbm>> -> memref<10112xf32, #tpu.memory_space<hbm>>
      tpu.wait_dma2 semaphore(%run_scoped3A : memref<!tpu.dma_semaphore, #tpu.memory_space<semaphore_mem>>) src(%arg8 : memref<10112xf32, #tpu.memory_space<vmem>>) dst(%dma_wait3A_24 : memref<10112xf32, #tpu.memory_space<hbm>>)
      tpu.yield
    }) : () -> ()
    "tpu.region"() ({
      %run_scoped3A = tpu.sem_alloc : memref<!tpu.dma_semaphore, #tpu.memory_space<semaphore_mem>>
      %dma_start3A = arith.constant 0 : i32
      %dma_start3A_15 = tpu.memref_slice %arg5[%add3A, %dma_start3A] : memref<32x10112xf32, #tpu.memory_space<hbm>> -> memref<1x10112xf32, #tpu.memory_space<hbm>>
      %dma_start3A_16 = tpu.memref_squeeze %dma_start3A_15 : memref<1x10112xf32, #tpu.memory_space<hbm>> -> memref<10112xf32, #tpu.memory_space<hbm>>
      %dma_start3A_17 = arith.constant 0 : i32
      %dma_start3A_18 = tpu.memref_slice %arg5[%add3A, %dma_start3A_17] : memref<32x10112xf32, #tpu.memory_space<hbm>> -> memref<1x10112xf32, #tpu.memory_space<hbm>>
      %dma_start3A_19 = tpu.memref_squeeze %dma_start3A_18 : memref<1x10112xf32, #tpu.memory_space<hbm>> -> memref<10112xf32, #tpu.memory_space<hbm>>
      tpu.enqueue_dma source(%arg9 : memref<10112xf32, #tpu.memory_space<vmem>>) target(%dma_start3A_19 : memref<10112xf32, #tpu.memory_space<hbm>>) target_semaphore(%run_scoped3A : memref<!tpu.dma_semaphore, #tpu.memory_space<semaphore_mem>>)
      %dma_wait3A = arith.constant 0 : i32
      %dma_wait3A_20 = tpu.memref_slice %arg5[%add3A, %dma_wait3A] : memref<32x10112xf32, #tpu.memory_space<hbm>> -> memref<1x10112xf32, #tpu.memory_space<hbm>>
      %dma_wait3A_21 = tpu.memref_squeeze %dma_wait3A_20 : memref<1x10112xf32, #tpu.memory_space<hbm>> -> memref<10112xf32, #tpu.memory_space<hbm>>
      %dma_wait3A_22 = arith.constant 0 : i32
      %dma_wait3A_23 = tpu.memref_slice %arg5[%add3A, %dma_wait3A_22] : memref<32x10112xf32, #tpu.memory_space<hbm>> -> memref<1x10112xf32, #tpu.memory_space<hbm>>
      %dma_wait3A_24 = tpu.memref_squeeze %dma_wait3A_23 : memref<1x10112xf32, #tpu.memory_space<hbm>> -> memref<10112xf32, #tpu.memory_space<hbm>>
      tpu.wait_dma2 semaphore(%run_scoped3A : memref<!tpu.dma_semaphore, #tpu.memory_space<semaphore_mem>>) src(%arg9 : memref<10112xf32, #tpu.memory_space<vmem>>) dst(%dma_wait3A_24 : memref<10112xf32, #tpu.memory_space<hbm>>)
      tpu.yield
    }) : () -> ()
    return
  }
}

#map = affine_map<(d0, d1) -> (0, 0)>
#map1 = affine_map<(d0, d1) -> (0)>
#map2 = affine_map<(d0, d1) -> (0, 0, 0)>
module attributes {stable_mosaic.version = 14 : i64} {
  func.func @_agg_body(%arg0: i32, %arg1: i32, %arg2: memref<10112x128xf32, #tpu.memory_space<hbm>>, %arg3: memref<322560xi32, #tpu.memory_space<hbm>>, %arg4: memref<322560xi32, #tpu.memory_space<hbm>>, %arg5: memref<10112x128xf32, #tpu.memory_space<hbm>>, %arg6: memref<2x10112x128xf32, #tpu.memory_space<hbm>>, %arg7: memref<10080xi32, #tpu.memory_space<vmem>>, %arg8: memref<72xi32, #tpu.memory_space<vmem>>, %arg9: memref<72xi32, #tpu.memory_space<vmem>>, %arg10: memref<72xi32, #tpu.memory_space<vmem>>, %arg11: memref<72xi32, #tpu.memory_space<vmem>>, %arg12: memref<72x128xf32, #tpu.memory_space<vmem>>, %arg13: memref<72x128xf32, #tpu.memory_space<vmem>>, %arg14: memref<72x128xf32, #tpu.memory_space<vmem>>, %arg15: memref<72x128xf32, #tpu.memory_space<vmem>>, %arg16: memref<10112x128xf32, #tpu.memory_space<vmem_shared>>, %arg17: memref<!tpu.dma_semaphore, #tpu.memory_space<semaphore_mem>>, %arg18: memref<!tpu.dma_semaphore, #tpu.memory_space<semaphore_mem>>, %arg19: memref<!tpu.dma_semaphore, #tpu.memory_space<semaphore_mem>>, %arg20: memref<!tpu.dma_semaphore, #tpu.memory_space<semaphore_mem>>, %arg21: memref<!tpu.dma_semaphore, #tpu.memory_space<semaphore_mem>>, %arg22: memref<!tpu.dma_semaphore, #tpu.memory_space<semaphore_mem>>, %arg23: memref<!tpu.dma_semaphore, #tpu.memory_space<semaphore_mem>>, %arg24: memref<!tpu.dma_semaphore, #tpu.memory_space<semaphore_mem>>) attributes {dimension_semantics = [#tpu.dimension_semantics<core_parallel>, #tpu.dimension_semantics<subcore_parallel>], iteration_bounds = array<i64: 2, 16>, scalar_prefetch = 0 : i64, scratch_operands = 18 : i64, tpu.core_type = #tpu.core_type<sc_vector_subcore>, window_params = [{transform_indices = #map}, {transform_indices = #map1}, {transform_indices = #map1}, {transform_indices = #map}, {transform_indices = #map2}]} {
    %mul3A = arith.constant 16 : i32
    %mul3A_0 = arith.muli %arg0, %mul3A : i32
    %add3A = arith.addi %mul3A_0, %arg1 : i32
    %mul3A_1 = arith.constant 632 : i32
    %mul3A_2 = arith.muli %arg1, %mul3A_1 : i32
    %multiple_of3A = tpu.assume_multiple %mul3A_2, 8 : i32
    "tpu.region"() ({
      %run_scoped3A = tpu.sem_alloc : memref<!tpu.dma_semaphore, #tpu.memory_space<semaphore_mem>>
      %dma_start3A_98 = arith.constant 0 : i32
      %dma_start3A_99 = tpu.memref_slice %arg16[%multiple_of3A, %dma_start3A_98] : memref<10112x128xf32, #tpu.memory_space<vmem_shared>> -> memref<632x128xf32, #tpu.memory_space<vmem_shared>>
      %dma_start3A_100 = arith.constant 0 : i32
      %dma_start3A_101 = tpu.memref_slice %arg5[%multiple_of3A, %dma_start3A_100] : memref<10112x128xf32, #tpu.memory_space<hbm>> -> memref<632x128xf32, #tpu.memory_space<hbm>>
      tpu.enqueue_dma source(%dma_start3A_101 : memref<632x128xf32, #tpu.memory_space<hbm>>) target(%dma_start3A_99 : memref<632x128xf32, #tpu.memory_space<vmem_shared>>) target_semaphore(%run_scoped3A : memref<!tpu.dma_semaphore, #tpu.memory_space<semaphore_mem>>)
      %dma_wait3A_102 = arith.constant 0 : i32
      %dma_wait3A_103 = tpu.memref_slice %arg16[%multiple_of3A, %dma_wait3A_102] : memref<10112x128xf32, #tpu.memory_space<vmem_shared>> -> memref<632x128xf32, #tpu.memory_space<vmem_shared>>
      %dma_wait3A_104 = arith.constant 0 : i32
      %dma_wait3A_105 = tpu.memref_slice %arg5[%multiple_of3A, %dma_wait3A_104] : memref<10112x128xf32, #tpu.memory_space<hbm>> -> memref<632x128xf32, #tpu.memory_space<hbm>>
      tpu.wait_dma2 semaphore(%run_scoped3A : memref<!tpu.dma_semaphore, #tpu.memory_space<semaphore_mem>>) src(%dma_wait3A_105 : memref<632x128xf32, #tpu.memory_space<hbm>>) dst(%dma_wait3A_103 : memref<632x128xf32, #tpu.memory_space<vmem_shared>>)
      tpu.yield
    }) : () -> ()
    %mul3A_3 = arith.constant 10080 : i32
    %mul3A_4 = arith.muli %add3A, %mul3A_3 : i32
    %multiple_of3A_5 = tpu.assume_multiple %mul3A_4, 8 : i32
    "tpu.region"() ({
      %run_scoped3A = tpu.sem_alloc : memref<!tpu.dma_semaphore, #tpu.memory_space<semaphore_mem>>
      %dma_start3A_98 = tpu.memref_slice %arg3[%multiple_of3A_5] : memref<322560xi32, #tpu.memory_space<hbm>> -> memref<10080xi32, #tpu.memory_space<hbm>>
      %dma_start3A_99 = tpu.memref_slice %arg3[%multiple_of3A_5] : memref<322560xi32, #tpu.memory_space<hbm>> -> memref<10080xi32, #tpu.memory_space<hbm>>
      tpu.enqueue_dma source(%dma_start3A_99 : memref<10080xi32, #tpu.memory_space<hbm>>) target(%arg7 : memref<10080xi32, #tpu.memory_space<vmem>>) target_semaphore(%run_scoped3A : memref<!tpu.dma_semaphore, #tpu.memory_space<semaphore_mem>>)
      %dma_wait3A_100 = tpu.memref_slice %arg3[%multiple_of3A_5] : memref<322560xi32, #tpu.memory_space<hbm>> -> memref<10080xi32, #tpu.memory_space<hbm>>
      %dma_wait3A_101 = tpu.memref_slice %arg3[%multiple_of3A_5] : memref<322560xi32, #tpu.memory_space<hbm>> -> memref<10080xi32, #tpu.memory_space<hbm>>
      tpu.wait_dma2 semaphore(%run_scoped3A : memref<!tpu.dma_semaphore, #tpu.memory_space<semaphore_mem>>) src(%dma_wait3A_101 : memref<10080xi32, #tpu.memory_space<hbm>>) dst(%arg7 : memref<10080xi32, #tpu.memory_space<vmem>>)
      tpu.yield
    }) : () -> ()
    %barrier3A = arith.constant 0 : index
    tpu.barrier barrier_id(%barrier3A)
    %add3A_6 = arith.constant 0 : i32
    %add3A_7 = arith.addi %multiple_of3A_5, %add3A_6 : i32
    %multiple_of3A_8 = tpu.assume_multiple %add3A_7, 8 : i32
    %dma_start3A = tpu.memref_slice %arg4[%multiple_of3A_8] : memref<322560xi32, #tpu.memory_space<hbm>> -> memref<72xi32, #tpu.memory_space<hbm>>
    %dma_start3A_9 = tpu.memref_slice %arg4[%multiple_of3A_8] : memref<322560xi32, #tpu.memory_space<hbm>> -> memref<72xi32, #tpu.memory_space<hbm>>
    tpu.enqueue_dma source(%dma_start3A_9 : memref<72xi32, #tpu.memory_space<hbm>>) target(%arg8 : memref<72xi32, #tpu.memory_space<vmem>>) target_semaphore(%arg21 : memref<!tpu.dma_semaphore, #tpu.memory_space<semaphore_mem>>)
    %multiple_of3A_10 = arith.constant 0 : i32
    %multiple_of3A_11 = tpu.assume_multiple %multiple_of3A_10, 8 : i32
    %dma_start3A_12 = tpu.memref_slice %arg7[%multiple_of3A_11] : memref<10080xi32, #tpu.memory_space<vmem>> -> memref<72xi32, #tpu.memory_space<vmem>>
    %dma_start3A_13 = arith.constant 0 : i32
    %dma_start3A_14 = arith.constant 0 : i32
    %dma_start3A_15 = tpu.memref_slice %arg2[%dma_start3A_13, %dma_start3A_14] : memref<10112x128xf32, #tpu.memory_space<hbm>> -> memref<10112x128xf32, #tpu.memory_space<hbm>>
    tpu.enqueue_indirect_dma source(%dma_start3A_15 : memref<10112x128xf32, #tpu.memory_space<hbm>>) target(%arg12 : memref<72x128xf32, #tpu.memory_space<vmem>>) offsets(%dma_start3A_12 : memref<72xi32, #tpu.memory_space<vmem>>) semaphore(%arg17 : memref<!tpu.dma_semaphore, #tpu.memory_space<semaphore_mem>>)
    %add3A_16 = arith.constant 72 : i32
    %add3A_17 = arith.addi %multiple_of3A_5, %add3A_16 : i32
    %multiple_of3A_18 = tpu.assume_multiple %add3A_17, 8 : i32
    %dma_start3A_19 = tpu.memref_slice %arg4[%multiple_of3A_18] : memref<322560xi32, #tpu.memory_space<hbm>> -> memref<72xi32, #tpu.memory_space<hbm>>
    %dma_start3A_20 = tpu.memref_slice %arg4[%multiple_of3A_18] : memref<322560xi32, #tpu.memory_space<hbm>> -> memref<72xi32, #tpu.memory_space<hbm>>
    tpu.enqueue_dma source(%dma_start3A_20 : memref<72xi32, #tpu.memory_space<hbm>>) target(%arg9 : memref<72xi32, #tpu.memory_space<vmem>>) target_semaphore(%arg22 : memref<!tpu.dma_semaphore, #tpu.memory_space<semaphore_mem>>)
    %multiple_of3A_21 = arith.constant 72 : i32
    %multiple_of3A_22 = tpu.assume_multiple %multiple_of3A_21, 8 : i32
    %dma_start3A_23 = tpu.memref_slice %arg7[%multiple_of3A_22] : memref<10080xi32, #tpu.memory_space<vmem>> -> memref<72xi32, #tpu.memory_space<vmem>>
    %dma_start3A_24 = arith.constant 0 : i32
    %dma_start3A_25 = arith.constant 0 : i32
    %dma_start3A_26 = tpu.memref_slice %arg2[%dma_start3A_24, %dma_start3A_25] : memref<10112x128xf32, #tpu.memory_space<hbm>> -> memref<10112x128xf32, #tpu.memory_space<hbm>>
    tpu.enqueue_indirect_dma source(%dma_start3A_26 : memref<10112x128xf32, #tpu.memory_space<hbm>>) target(%arg13 : memref<72x128xf32, #tpu.memory_space<vmem>>) offsets(%dma_start3A_23 : memref<72xi32, #tpu.memory_space<vmem>>) semaphore(%arg18 : memref<!tpu.dma_semaphore, #tpu.memory_space<semaphore_mem>>)
    %add3A_27 = arith.constant 144 : i32
    %add3A_28 = arith.addi %multiple_of3A_5, %add3A_27 : i32
    %multiple_of3A_29 = tpu.assume_multiple %add3A_28, 8 : i32
    %dma_start3A_30 = tpu.memref_slice %arg4[%multiple_of3A_29] : memref<322560xi32, #tpu.memory_space<hbm>> -> memref<72xi32, #tpu.memory_space<hbm>>
    %dma_start3A_31 = tpu.memref_slice %arg4[%multiple_of3A_29] : memref<322560xi32, #tpu.memory_space<hbm>> -> memref<72xi32, #tpu.memory_space<hbm>>
    tpu.enqueue_dma source(%dma_start3A_31 : memref<72xi32, #tpu.memory_space<hbm>>) target(%arg10 : memref<72xi32, #tpu.memory_space<vmem>>) target_semaphore(%arg23 : memref<!tpu.dma_semaphore, #tpu.memory_space<semaphore_mem>>)
    %multiple_of3A_32 = arith.constant 144 : i32
    %multiple_of3A_33 = tpu.assume_multiple %multiple_of3A_32, 8 : i32
    %dma_start3A_34 = tpu.memref_slice %arg7[%multiple_of3A_33] : memref<10080xi32, #tpu.memory_space<vmem>> -> memref<72xi32, #tpu.memory_space<vmem>>
    %dma_start3A_35 = arith.constant 0 : i32
    %dma_start3A_36 = arith.constant 0 : i32
    %dma_start3A_37 = tpu.memref_slice %arg2[%dma_start3A_35, %dma_start3A_36] : memref<10112x128xf32, #tpu.memory_space<hbm>> -> memref<10112x128xf32, #tpu.memory_space<hbm>>
    tpu.enqueue_indirect_dma source(%dma_start3A_37 : memref<10112x128xf32, #tpu.memory_space<hbm>>) target(%arg14 : memref<72x128xf32, #tpu.memory_space<vmem>>) offsets(%dma_start3A_34 : memref<72xi32, #tpu.memory_space<vmem>>) semaphore(%arg19 : memref<!tpu.dma_semaphore, #tpu.memory_space<semaphore_mem>>)
    %add3A_38 = arith.constant 216 : i32
    %add3A_39 = arith.addi %multiple_of3A_5, %add3A_38 : i32
    %multiple_of3A_40 = tpu.assume_multiple %add3A_39, 8 : i32
    %dma_start3A_41 = tpu.memref_slice %arg4[%multiple_of3A_40] : memref<322560xi32, #tpu.memory_space<hbm>> -> memref<72xi32, #tpu.memory_space<hbm>>
    %dma_start3A_42 = tpu.memref_slice %arg4[%multiple_of3A_40] : memref<322560xi32, #tpu.memory_space<hbm>> -> memref<72xi32, #tpu.memory_space<hbm>>
    tpu.enqueue_dma source(%dma_start3A_42 : memref<72xi32, #tpu.memory_space<hbm>>) target(%arg11 : memref<72xi32, #tpu.memory_space<vmem>>) target_semaphore(%arg24 : memref<!tpu.dma_semaphore, #tpu.memory_space<semaphore_mem>>)
    %multiple_of3A_43 = arith.constant 216 : i32
    %multiple_of3A_44 = tpu.assume_multiple %multiple_of3A_43, 8 : i32
    %dma_start3A_45 = tpu.memref_slice %arg7[%multiple_of3A_44] : memref<10080xi32, #tpu.memory_space<vmem>> -> memref<72xi32, #tpu.memory_space<vmem>>
    %dma_start3A_46 = arith.constant 0 : i32
    %dma_start3A_47 = arith.constant 0 : i32
    %dma_start3A_48 = tpu.memref_slice %arg2[%dma_start3A_46, %dma_start3A_47] : memref<10112x128xf32, #tpu.memory_space<hbm>> -> memref<10112x128xf32, #tpu.memory_space<hbm>>
    tpu.enqueue_indirect_dma source(%dma_start3A_48 : memref<10112x128xf32, #tpu.memory_space<hbm>>) target(%arg15 : memref<72x128xf32, #tpu.memory_space<vmem>>) offsets(%dma_start3A_45 : memref<72xi32, #tpu.memory_space<vmem>>) semaphore(%arg20 : memref<!tpu.dma_semaphore, #tpu.memory_space<semaphore_mem>>)
    %scan3A = arith.constant 0 : i32
    %scan3A_49 = arith.constant 0 : i32
    %scan3A_50 = arith.constant 34 : i32
    %scan3A_51 = arith.addi %scan3A_49, %scan3A_50 : i32
    %scan3A_52 = arith.constant 1 : i32
    scf.for %scan3A_98 = %scan3A_49 to %scan3A_51 step %scan3A_52  : i32 {
      %mul3A_99 = arith.constant 4 : i32
      %mul3A_100 = arith.muli %scan3A_98, %mul3A_99 : i32
      %add3A_101 = arith.constant 0 : i32
      %add3A_102 = arith.addi %mul3A_100, %add3A_101 : i32
      %mul3A_103 = arith.constant 72 : i32
      %mul3A_104 = arith.muli %add3A_102, %mul3A_103 : i32
      %multiple_of3A_105 = tpu.assume_multiple %mul3A_104, 8 : i32
      %dma_wait3A_106 = tpu.memref_slice %arg7[%multiple_of3A_105] : memref<10080xi32, #tpu.memory_space<vmem>> -> memref<72xi32, #tpu.memory_space<vmem>>
      %dma_wait3A_107 = arith.constant 0 : i32
      %dma_wait3A_108 = arith.constant 0 : i32
      %dma_wait3A_109 = tpu.memref_slice %arg2[%dma_wait3A_107, %dma_wait3A_108] : memref<10112x128xf32, #tpu.memory_space<hbm>> -> memref<10112x128xf32, #tpu.memory_space<hbm>>
      tpu.wait_indirect_dma semaphore(%arg17 : memref<!tpu.dma_semaphore, #tpu.memory_space<semaphore_mem>>) src(%dma_wait3A_109 : memref<10112x128xf32, #tpu.memory_space<hbm>>) dst(%arg12 : memref<72x128xf32, #tpu.memory_space<vmem>>)
      %mul3A_110 = arith.constant 72 : i32
      %mul3A_111 = arith.muli %add3A_102, %mul3A_110 : i32
      %add3A_112 = arith.addi %multiple_of3A_5, %mul3A_111 : i32
      %multiple_of3A_113 = tpu.assume_multiple %add3A_112, 8 : i32
      %dma_wait3A_114 = tpu.memref_slice %arg4[%multiple_of3A_113] : memref<322560xi32, #tpu.memory_space<hbm>> -> memref<72xi32, #tpu.memory_space<hbm>>
      %dma_wait3A_115 = tpu.memref_slice %arg4[%multiple_of3A_113] : memref<322560xi32, #tpu.memory_space<hbm>> -> memref<72xi32, #tpu.memory_space<hbm>>
      tpu.wait_dma2 semaphore(%arg21 : memref<!tpu.dma_semaphore, #tpu.memory_space<semaphore_mem>>) src(%dma_wait3A_115 : memref<72xi32, #tpu.memory_space<hbm>>) dst(%arg8 : memref<72xi32, #tpu.memory_space<vmem>>)
      "tpu.region"() ({
        %run_scoped3A = tpu.sem_alloc : memref<!tpu.dma_semaphore, #tpu.memory_space<semaphore_mem>>
        %dma_start3A_235 = arith.constant 0 : i32
        %dma_start3A_236 = arith.constant 0 : i32
        %dma_start3A_237 = tpu.memref_slice %arg16[%dma_start3A_235, %dma_start3A_236] : memref<10112x128xf32, #tpu.memory_space<vmem_shared>> -> memref<10112x128xf32, #tpu.memory_space<vmem_shared>>
        tpu.enqueue_indirect_dma source(%arg12 : memref<72x128xf32, #tpu.memory_space<vmem>>) target(%dma_start3A_237 : memref<10112x128xf32, #tpu.memory_space<vmem_shared>>) offsets(%arg8 : memref<72xi32, #tpu.memory_space<vmem>>) semaphore(%run_scoped3A : memref<!tpu.dma_semaphore, #tpu.memory_space<semaphore_mem>>) {add = true}
        %dma_wait3A_238 = arith.constant 0 : i32
        %dma_wait3A_239 = arith.constant 0 : i32
        %dma_wait3A_240 = tpu.memref_slice %arg16[%dma_wait3A_238, %dma_wait3A_239] : memref<10112x128xf32, #tpu.memory_space<vmem_shared>> -> memref<10112x128xf32, #tpu.memory_space<vmem_shared>>
        tpu.wait_indirect_dma semaphore(%run_scoped3A : memref<!tpu.dma_semaphore, #tpu.memory_space<semaphore_mem>>) src(%arg12 : memref<72x128xf32, #tpu.memory_space<vmem>>) dst(%dma_wait3A_240 : memref<10112x128xf32, #tpu.memory_space<vmem_shared>>)
        tpu.yield
      }) : () -> ()
      %add3A_116 = arith.constant 4 : i32
      %add3A_117 = arith.addi %add3A_102, %add3A_116 : i32
      %mul3A_118 = arith.constant 72 : i32
      %mul3A_119 = arith.muli %add3A_117, %mul3A_118 : i32
      %add3A_120 = arith.addi %multiple_of3A_5, %mul3A_119 : i32
      %multiple_of3A_121 = tpu.assume_multiple %add3A_120, 8 : i32
      %dma_start3A_122 = tpu.memref_slice %arg4[%multiple_of3A_121] : memref<322560xi32, #tpu.memory_space<hbm>> -> memref<72xi32, #tpu.memory_space<hbm>>
      %dma_start3A_123 = tpu.memref_slice %arg4[%multiple_of3A_121] : memref<322560xi32, #tpu.memory_space<hbm>> -> memref<72xi32, #tpu.memory_space<hbm>>
      tpu.enqueue_dma source(%dma_start3A_123 : memref<72xi32, #tpu.memory_space<hbm>>) target(%arg8 : memref<72xi32, #tpu.memory_space<vmem>>) target_semaphore(%arg21 : memref<!tpu.dma_semaphore, #tpu.memory_space<semaphore_mem>>)
      %add3A_124 = arith.constant 4 : i32
      %add3A_125 = arith.addi %add3A_102, %add3A_124 : i32
      %mul3A_126 = arith.constant 72 : i32
      %mul3A_127 = arith.muli %add3A_125, %mul3A_126 : i32
      %multiple_of3A_128 = tpu.assume_multiple %mul3A_127, 8 : i32
      %dma_start3A_129 = tpu.memref_slice %arg7[%multiple_of3A_128] : memref<10080xi32, #tpu.memory_space<vmem>> -> memref<72xi32, #tpu.memory_space<vmem>>
      %dma_start3A_130 = arith.constant 0 : i32
      %dma_start3A_131 = arith.constant 0 : i32
      %dma_start3A_132 = tpu.memref_slice %arg2[%dma_start3A_130, %dma_start3A_131] : memref<10112x128xf32, #tpu.memory_space<hbm>> -> memref<10112x128xf32, #tpu.memory_space<hbm>>
      tpu.enqueue_indirect_dma source(%dma_start3A_132 : memref<10112x128xf32, #tpu.memory_space<hbm>>) target(%arg12 : memref<72x128xf32, #tpu.memory_space<vmem>>) offsets(%dma_start3A_129 : memref<72xi32, #tpu.memory_space<vmem>>) semaphore(%arg17 : memref<!tpu.dma_semaphore, #tpu.memory_space<semaphore_mem>>)
      %mul3A_133 = arith.constant 4 : i32
      %mul3A_134 = arith.muli %scan3A_98, %mul3A_133 : i32
      %add3A_135 = arith.constant 1 : i32
      %add3A_136 = arith.addi %mul3A_134, %add3A_135 : i32
      %mul3A_137 = arith.constant 72 : i32
      %mul3A_138 = arith.muli %add3A_136, %mul3A_137 : i32
      %multiple_of3A_139 = tpu.assume_multiple %mul3A_138, 8 : i32
      %dma_wait3A_140 = tpu.memref_slice %arg7[%multiple_of3A_139] : memref<10080xi32, #tpu.memory_space<vmem>> -> memref<72xi32, #tpu.memory_space<vmem>>
      %dma_wait3A_141 = arith.constant 0 : i32
      %dma_wait3A_142 = arith.constant 0 : i32
      %dma_wait3A_143 = tpu.memref_slice %arg2[%dma_wait3A_141, %dma_wait3A_142] : memref<10112x128xf32, #tpu.memory_space<hbm>> -> memref<10112x128xf32, #tpu.memory_space<hbm>>
      tpu.wait_indirect_dma semaphore(%arg18 : memref<!tpu.dma_semaphore, #tpu.memory_space<semaphore_mem>>) src(%dma_wait3A_143 : memref<10112x128xf32, #tpu.memory_space<hbm>>) dst(%arg13 : memref<72x128xf32, #tpu.memory_space<vmem>>)
      %mul3A_144 = arith.constant 72 : i32
      %mul3A_145 = arith.muli %add3A_136, %mul3A_144 : i32
      %add3A_146 = arith.addi %multiple_of3A_5, %mul3A_145 : i32
      %multiple_of3A_147 = tpu.assume_multiple %add3A_146, 8 : i32
      %dma_wait3A_148 = tpu.memref_slice %arg4[%multiple_of3A_147] : memref<322560xi32, #tpu.memory_space<hbm>> -> memref<72xi32, #tpu.memory_space<hbm>>
      %dma_wait3A_149 = tpu.memref_slice %arg4[%multiple_of3A_147] : memref<322560xi32, #tpu.memory_space<hbm>> -> memref<72xi32, #tpu.memory_space<hbm>>
      tpu.wait_dma2 semaphore(%arg22 : memref<!tpu.dma_semaphore, #tpu.memory_space<semaphore_mem>>) src(%dma_wait3A_149 : memref<72xi32, #tpu.memory_space<hbm>>) dst(%arg9 : memref<72xi32, #tpu.memory_space<vmem>>)
      "tpu.region"() ({
        %run_scoped3A = tpu.sem_alloc : memref<!tpu.dma_semaphore, #tpu.memory_space<semaphore_mem>>
        %dma_start3A_235 = arith.constant 0 : i32
        %dma_start3A_236 = arith.constant 0 : i32
        %dma_start3A_237 = tpu.memref_slice %arg16[%dma_start3A_235, %dma_start3A_236] : memref<10112x128xf32, #tpu.memory_space<vmem_shared>> -> memref<10112x128xf32, #tpu.memory_space<vmem_shared>>
        tpu.enqueue_indirect_dma source(%arg13 : memref<72x128xf32, #tpu.memory_space<vmem>>) target(%dma_start3A_237 : memref<10112x128xf32, #tpu.memory_space<vmem_shared>>) offsets(%arg9 : memref<72xi32, #tpu.memory_space<vmem>>) semaphore(%run_scoped3A : memref<!tpu.dma_semaphore, #tpu.memory_space<semaphore_mem>>) {add = true}
        %dma_wait3A_238 = arith.constant 0 : i32
        %dma_wait3A_239 = arith.constant 0 : i32
        %dma_wait3A_240 = tpu.memref_slice %arg16[%dma_wait3A_238, %dma_wait3A_239] : memref<10112x128xf32, #tpu.memory_space<vmem_shared>> -> memref<10112x128xf32, #tpu.memory_space<vmem_shared>>
        tpu.wait_indirect_dma semaphore(%run_scoped3A : memref<!tpu.dma_semaphore, #tpu.memory_space<semaphore_mem>>) src(%arg13 : memref<72x128xf32, #tpu.memory_space<vmem>>) dst(%dma_wait3A_240 : memref<10112x128xf32, #tpu.memory_space<vmem_shared>>)
        tpu.yield
      }) : () -> ()
      %add3A_150 = arith.constant 4 : i32
      %add3A_151 = arith.addi %add3A_136, %add3A_150 : i32
      %mul3A_152 = arith.constant 72 : i32
      %mul3A_153 = arith.muli %add3A_151, %mul3A_152 : i32
      %add3A_154 = arith.addi %multiple_of3A_5, %mul3A_153 : i32
      %multiple_of3A_155 = tpu.assume_multiple %add3A_154, 8 : i32
      %dma_start3A_156 = tpu.memref_slice %arg4[%multiple_of3A_155] : memref<322560xi32, #tpu.memory_space<hbm>> -> memref<72xi32, #tpu.memory_space<hbm>>
      %dma_start3A_157 = tpu.memref_slice %arg4[%multiple_of3A_155] : memref<322560xi32, #tpu.memory_space<hbm>> -> memref<72xi32, #tpu.memory_space<hbm>>
      tpu.enqueue_dma source(%dma_start3A_157 : memref<72xi32, #tpu.memory_space<hbm>>) target(%arg9 : memref<72xi32, #tpu.memory_space<vmem>>) target_semaphore(%arg22 : memref<!tpu.dma_semaphore, #tpu.memory_space<semaphore_mem>>)
      %add3A_158 = arith.constant 4 : i32
      %add3A_159 = arith.addi %add3A_136, %add3A_158 : i32
      %mul3A_160 = arith.constant 72 : i32
      %mul3A_161 = arith.muli %add3A_159, %mul3A_160 : i32
      %multiple_of3A_162 = tpu.assume_multiple %mul3A_161, 8 : i32
      %dma_start3A_163 = tpu.memref_slice %arg7[%multiple_of3A_162] : memref<10080xi32, #tpu.memory_space<vmem>> -> memref<72xi32, #tpu.memory_space<vmem>>
      %dma_start3A_164 = arith.constant 0 : i32
      %dma_start3A_165 = arith.constant 0 : i32
      %dma_start3A_166 = tpu.memref_slice %arg2[%dma_start3A_164, %dma_start3A_165] : memref<10112x128xf32, #tpu.memory_space<hbm>> -> memref<10112x128xf32, #tpu.memory_space<hbm>>
      tpu.enqueue_indirect_dma source(%dma_start3A_166 : memref<10112x128xf32, #tpu.memory_space<hbm>>) target(%arg13 : memref<72x128xf32, #tpu.memory_space<vmem>>) offsets(%dma_start3A_163 : memref<72xi32, #tpu.memory_space<vmem>>) semaphore(%arg18 : memref<!tpu.dma_semaphore, #tpu.memory_space<semaphore_mem>>)
      %mul3A_167 = arith.constant 4 : i32
      %mul3A_168 = arith.muli %scan3A_98, %mul3A_167 : i32
      %add3A_169 = arith.constant 2 : i32
      %add3A_170 = arith.addi %mul3A_168, %add3A_169 : i32
      %mul3A_171 = arith.constant 72 : i32
      %mul3A_172 = arith.muli %add3A_170, %mul3A_171 : i32
      %multiple_of3A_173 = tpu.assume_multiple %mul3A_172, 8 : i32
      %dma_wait3A_174 = tpu.memref_slice %arg7[%multiple_of3A_173] : memref<10080xi32, #tpu.memory_space<vmem>> -> memref<72xi32, #tpu.memory_space<vmem>>
      %dma_wait3A_175 = arith.constant 0 : i32
      %dma_wait3A_176 = arith.constant 0 : i32
      %dma_wait3A_177 = tpu.memref_slice %arg2[%dma_wait3A_175, %dma_wait3A_176] : memref<10112x128xf32, #tpu.memory_space<hbm>> -> memref<10112x128xf32, #tpu.memory_space<hbm>>
      tpu.wait_indirect_dma semaphore(%arg19 : memref<!tpu.dma_semaphore, #tpu.memory_space<semaphore_mem>>) src(%dma_wait3A_177 : memref<10112x128xf32, #tpu.memory_space<hbm>>) dst(%arg14 : memref<72x128xf32, #tpu.memory_space<vmem>>)
      %mul3A_178 = arith.constant 72 : i32
      %mul3A_179 = arith.muli %add3A_170, %mul3A_178 : i32
      %add3A_180 = arith.addi %multiple_of3A_5, %mul3A_179 : i32
      %multiple_of3A_181 = tpu.assume_multiple %add3A_180, 8 : i32
      %dma_wait3A_182 = tpu.memref_slice %arg4[%multiple_of3A_181] : memref<322560xi32, #tpu.memory_space<hbm>> -> memref<72xi32, #tpu.memory_space<hbm>>
      %dma_wait3A_183 = tpu.memref_slice %arg4[%multiple_of3A_181] : memref<322560xi32, #tpu.memory_space<hbm>> -> memref<72xi32, #tpu.memory_space<hbm>>
      tpu.wait_dma2 semaphore(%arg23 : memref<!tpu.dma_semaphore, #tpu.memory_space<semaphore_mem>>) src(%dma_wait3A_183 : memref<72xi32, #tpu.memory_space<hbm>>) dst(%arg10 : memref<72xi32, #tpu.memory_space<vmem>>)
      "tpu.region"() ({
        %run_scoped3A = tpu.sem_alloc : memref<!tpu.dma_semaphore, #tpu.memory_space<semaphore_mem>>
        %dma_start3A_235 = arith.constant 0 : i32
        %dma_start3A_236 = arith.constant 0 : i32
        %dma_start3A_237 = tpu.memref_slice %arg16[%dma_start3A_235, %dma_start3A_236] : memref<10112x128xf32, #tpu.memory_space<vmem_shared>> -> memref<10112x128xf32, #tpu.memory_space<vmem_shared>>
        tpu.enqueue_indirect_dma source(%arg14 : memref<72x128xf32, #tpu.memory_space<vmem>>) target(%dma_start3A_237 : memref<10112x128xf32, #tpu.memory_space<vmem_shared>>) offsets(%arg10 : memref<72xi32, #tpu.memory_space<vmem>>) semaphore(%run_scoped3A : memref<!tpu.dma_semaphore, #tpu.memory_space<semaphore_mem>>) {add = true}
        %dma_wait3A_238 = arith.constant 0 : i32
        %dma_wait3A_239 = arith.constant 0 : i32
        %dma_wait3A_240 = tpu.memref_slice %arg16[%dma_wait3A_238, %dma_wait3A_239] : memref<10112x128xf32, #tpu.memory_space<vmem_shared>> -> memref<10112x128xf32, #tpu.memory_space<vmem_shared>>
        tpu.wait_indirect_dma semaphore(%run_scoped3A : memref<!tpu.dma_semaphore, #tpu.memory_space<semaphore_mem>>) src(%arg14 : memref<72x128xf32, #tpu.memory_space<vmem>>) dst(%dma_wait3A_240 : memref<10112x128xf32, #tpu.memory_space<vmem_shared>>)
        tpu.yield
      }) : () -> ()
      %add3A_184 = arith.constant 4 : i32
      %add3A_185 = arith.addi %add3A_170, %add3A_184 : i32
      %mul3A_186 = arith.constant 72 : i32
      %mul3A_187 = arith.muli %add3A_185, %mul3A_186 : i32
      %add3A_188 = arith.addi %multiple_of3A_5, %mul3A_187 : i32
      %multiple_of3A_189 = tpu.assume_multiple %add3A_188, 8 : i32
      %dma_start3A_190 = tpu.memref_slice %arg4[%multiple_of3A_189] : memref<322560xi32, #tpu.memory_space<hbm>> -> memref<72xi32, #tpu.memory_space<hbm>>
      %dma_start3A_191 = tpu.memref_slice %arg4[%multiple_of3A_189] : memref<322560xi32, #tpu.memory_space<hbm>> -> memref<72xi32, #tpu.memory_space<hbm>>
      tpu.enqueue_dma source(%dma_start3A_191 : memref<72xi32, #tpu.memory_space<hbm>>) target(%arg10 : memref<72xi32, #tpu.memory_space<vmem>>) target_semaphore(%arg23 : memref<!tpu.dma_semaphore, #tpu.memory_space<semaphore_mem>>)
      %add3A_192 = arith.constant 4 : i32
      %add3A_193 = arith.addi %add3A_170, %add3A_192 : i32
      %mul3A_194 = arith.constant 72 : i32
      %mul3A_195 = arith.muli %add3A_193, %mul3A_194 : i32
      %multiple_of3A_196 = tpu.assume_multiple %mul3A_195, 8 : i32
      %dma_start3A_197 = tpu.memref_slice %arg7[%multiple_of3A_196] : memref<10080xi32, #tpu.memory_space<vmem>> -> memref<72xi32, #tpu.memory_space<vmem>>
      %dma_start3A_198 = arith.constant 0 : i32
      %dma_start3A_199 = arith.constant 0 : i32
      %dma_start3A_200 = tpu.memref_slice %arg2[%dma_start3A_198, %dma_start3A_199] : memref<10112x128xf32, #tpu.memory_space<hbm>> -> memref<10112x128xf32, #tpu.memory_space<hbm>>
      tpu.enqueue_indirect_dma source(%dma_start3A_200 : memref<10112x128xf32, #tpu.memory_space<hbm>>) target(%arg14 : memref<72x128xf32, #tpu.memory_space<vmem>>) offsets(%dma_start3A_197 : memref<72xi32, #tpu.memory_space<vmem>>) semaphore(%arg19 : memref<!tpu.dma_semaphore, #tpu.memory_space<semaphore_mem>>)
      %mul3A_201 = arith.constant 4 : i32
      %mul3A_202 = arith.muli %scan3A_98, %mul3A_201 : i32
      %add3A_203 = arith.constant 3 : i32
      %add3A_204 = arith.addi %mul3A_202, %add3A_203 : i32
      %mul3A_205 = arith.constant 72 : i32
      %mul3A_206 = arith.muli %add3A_204, %mul3A_205 : i32
      %multiple_of3A_207 = tpu.assume_multiple %mul3A_206, 8 : i32
      %dma_wait3A_208 = tpu.memref_slice %arg7[%multiple_of3A_207] : memref<10080xi32, #tpu.memory_space<vmem>> -> memref<72xi32, #tpu.memory_space<vmem>>
      %dma_wait3A_209 = arith.constant 0 : i32
      %dma_wait3A_210 = arith.constant 0 : i32
      %dma_wait3A_211 = tpu.memref_slice %arg2[%dma_wait3A_209, %dma_wait3A_210] : memref<10112x128xf32, #tpu.memory_space<hbm>> -> memref<10112x128xf32, #tpu.memory_space<hbm>>
      tpu.wait_indirect_dma semaphore(%arg20 : memref<!tpu.dma_semaphore, #tpu.memory_space<semaphore_mem>>) src(%dma_wait3A_211 : memref<10112x128xf32, #tpu.memory_space<hbm>>) dst(%arg15 : memref<72x128xf32, #tpu.memory_space<vmem>>)
      %mul3A_212 = arith.constant 72 : i32
      %mul3A_213 = arith.muli %add3A_204, %mul3A_212 : i32
      %add3A_214 = arith.addi %multiple_of3A_5, %mul3A_213 : i32
      %multiple_of3A_215 = tpu.assume_multiple %add3A_214, 8 : i32
      %dma_wait3A_216 = tpu.memref_slice %arg4[%multiple_of3A_215] : memref<322560xi32, #tpu.memory_space<hbm>> -> memref<72xi32, #tpu.memory_space<hbm>>
      %dma_wait3A_217 = tpu.memref_slice %arg4[%multiple_of3A_215] : memref<322560xi32, #tpu.memory_space<hbm>> -> memref<72xi32, #tpu.memory_space<hbm>>
      tpu.wait_dma2 semaphore(%arg24 : memref<!tpu.dma_semaphore, #tpu.memory_space<semaphore_mem>>) src(%dma_wait3A_217 : memref<72xi32, #tpu.memory_space<hbm>>) dst(%arg11 : memref<72xi32, #tpu.memory_space<vmem>>)
      "tpu.region"() ({
        %run_scoped3A = tpu.sem_alloc : memref<!tpu.dma_semaphore, #tpu.memory_space<semaphore_mem>>
        %dma_start3A_235 = arith.constant 0 : i32
        %dma_start3A_236 = arith.constant 0 : i32
        %dma_start3A_237 = tpu.memref_slice %arg16[%dma_start3A_235, %dma_start3A_236] : memref<10112x128xf32, #tpu.memory_space<vmem_shared>> -> memref<10112x128xf32, #tpu.memory_space<vmem_shared>>
        tpu.enqueue_indirect_dma source(%arg15 : memref<72x128xf32, #tpu.memory_space<vmem>>) target(%dma_start3A_237 : memref<10112x128xf32, #tpu.memory_space<vmem_shared>>) offsets(%arg11 : memref<72xi32, #tpu.memory_space<vmem>>) semaphore(%run_scoped3A : memref<!tpu.dma_semaphore, #tpu.memory_space<semaphore_mem>>) {add = true}
        %dma_wait3A_238 = arith.constant 0 : i32
        %dma_wait3A_239 = arith.constant 0 : i32
        %dma_wait3A_240 = tpu.memref_slice %arg16[%dma_wait3A_238, %dma_wait3A_239] : memref<10112x128xf32, #tpu.memory_space<vmem_shared>> -> memref<10112x128xf32, #tpu.memory_space<vmem_shared>>
        tpu.wait_indirect_dma semaphore(%run_scoped3A : memref<!tpu.dma_semaphore, #tpu.memory_space<semaphore_mem>>) src(%arg15 : memref<72x128xf32, #tpu.memory_space<vmem>>) dst(%dma_wait3A_240 : memref<10112x128xf32, #tpu.memory_space<vmem_shared>>)
        tpu.yield
      }) : () -> ()
      %add3A_218 = arith.constant 4 : i32
      %add3A_219 = arith.addi %add3A_204, %add3A_218 : i32
      %mul3A_220 = arith.constant 72 : i32
      %mul3A_221 = arith.muli %add3A_219, %mul3A_220 : i32
      %add3A_222 = arith.addi %multiple_of3A_5, %mul3A_221 : i32
      %multiple_of3A_223 = tpu.assume_multiple %add3A_222, 8 : i32
      %dma_start3A_224 = tpu.memref_slice %arg4[%multiple_of3A_223] : memref<322560xi32, #tpu.memory_space<hbm>> -> memref<72xi32, #tpu.memory_space<hbm>>
      %dma_start3A_225 = tpu.memref_slice %arg4[%multiple_of3A_223] : memref<322560xi32, #tpu.memory_space<hbm>> -> memref<72xi32, #tpu.memory_space<hbm>>
      tpu.enqueue_dma source(%dma_start3A_225 : memref<72xi32, #tpu.memory_space<hbm>>) target(%arg11 : memref<72xi32, #tpu.memory_space<vmem>>) target_semaphore(%arg24 : memref<!tpu.dma_semaphore, #tpu.memory_space<semaphore_mem>>)
      %add3A_226 = arith.constant 4 : i32
      %add3A_227 = arith.addi %add3A_204, %add3A_226 : i32
      %mul3A_228 = arith.constant 72 : i32
      %mul3A_229 = arith.muli %add3A_227, %mul3A_228 : i32
      %multiple_of3A_230 = tpu.assume_multiple %mul3A_229, 8 : i32
      %dma_start3A_231 = tpu.memref_slice %arg7[%multiple_of3A_230] : memref<10080xi32, #tpu.memory_space<vmem>> -> memref<72xi32, #tpu.memory_space<vmem>>
      %dma_start3A_232 = arith.constant 0 : i32
      %dma_start3A_233 = arith.constant 0 : i32
      %dma_start3A_234 = tpu.memref_slice %arg2[%dma_start3A_232, %dma_start3A_233] : memref<10112x128xf32, #tpu.memory_space<hbm>> -> memref<10112x128xf32, #tpu.memory_space<hbm>>
      tpu.enqueue_indirect_dma source(%dma_start3A_234 : memref<10112x128xf32, #tpu.memory_space<hbm>>) target(%arg15 : memref<72x128xf32, #tpu.memory_space<vmem>>) offsets(%dma_start3A_231 : memref<72xi32, #tpu.memory_space<vmem>>) semaphore(%arg20 : memref<!tpu.dma_semaphore, #tpu.memory_space<semaphore_mem>>)
    }
    %scan3A_53 = arith.constant 34 : i32
    %multiple_of3A_54 = arith.constant 9792 : i32
    %multiple_of3A_55 = tpu.assume_multiple %multiple_of3A_54, 8 : i32
    %dma_wait3A = tpu.memref_slice %arg7[%multiple_of3A_55] : memref<10080xi32, #tpu.memory_space<vmem>> -> memref<72xi32, #tpu.memory_space<vmem>>
    %dma_wait3A_56 = arith.constant 0 : i32
    %dma_wait3A_57 = arith.constant 0 : i32
    %dma_wait3A_58 = tpu.memref_slice %arg2[%dma_wait3A_56, %dma_wait3A_57] : memref<10112x128xf32, #tpu.memory_space<hbm>> -> memref<10112x128xf32, #tpu.memory_space<hbm>>
    tpu.wait_indirect_dma semaphore(%arg17 : memref<!tpu.dma_semaphore, #tpu.memory_space<semaphore_mem>>) src(%dma_wait3A_58 : memref<10112x128xf32, #tpu.memory_space<hbm>>) dst(%arg12 : memref<72x128xf32, #tpu.memory_space<vmem>>)
    %add3A_59 = arith.constant 9792 : i32
    %add3A_60 = arith.addi %multiple_of3A_5, %add3A_59 : i32
    %multiple_of3A_61 = tpu.assume_multiple %add3A_60, 8 : i32
    %dma_wait3A_62 = tpu.memref_slice %arg4[%multiple_of3A_61] : memref<322560xi32, #tpu.memory_space<hbm>> -> memref<72xi32, #tpu.memory_space<hbm>>
    %dma_wait3A_63 = tpu.memref_slice %arg4[%multiple_of3A_61] : memref<322560xi32, #tpu.memory_space<hbm>> -> memref<72xi32, #tpu.memory_space<hbm>>
    tpu.wait_dma2 semaphore(%arg21 : memref<!tpu.dma_semaphore, #tpu.memory_space<semaphore_mem>>) src(%dma_wait3A_63 : memref<72xi32, #tpu.memory_space<hbm>>) dst(%arg8 : memref<72xi32, #tpu.memory_space<vmem>>)
    "tpu.region"() ({
      %run_scoped3A = tpu.sem_alloc : memref<!tpu.dma_semaphore, #tpu.memory_space<semaphore_mem>>
      %dma_start3A_98 = arith.constant 0 : i32
      %dma_start3A_99 = arith.constant 0 : i32
      %dma_start3A_100 = tpu.memref_slice %arg16[%dma_start3A_98, %dma_start3A_99] : memref<10112x128xf32, #tpu.memory_space<vmem_shared>> -> memref<10112x128xf32, #tpu.memory_space<vmem_shared>>
      tpu.enqueue_indirect_dma source(%arg12 : memref<72x128xf32, #tpu.memory_space<vmem>>) target(%dma_start3A_100 : memref<10112x128xf32, #tpu.memory_space<vmem_shared>>) offsets(%arg8 : memref<72xi32, #tpu.memory_space<vmem>>) semaphore(%run_scoped3A : memref<!tpu.dma_semaphore, #tpu.memory_space<semaphore_mem>>) {add = true}
      %dma_wait3A_101 = arith.constant 0 : i32
      %dma_wait3A_102 = arith.constant 0 : i32
      %dma_wait3A_103 = tpu.memref_slice %arg16[%dma_wait3A_101, %dma_wait3A_102] : memref<10112x128xf32, #tpu.memory_space<vmem_shared>> -> memref<10112x128xf32, #tpu.memory_space<vmem_shared>>
      tpu.wait_indirect_dma semaphore(%run_scoped3A : memref<!tpu.dma_semaphore, #tpu.memory_space<semaphore_mem>>) src(%arg12 : memref<72x128xf32, #tpu.memory_space<vmem>>) dst(%dma_wait3A_103 : memref<10112x128xf32, #tpu.memory_space<vmem_shared>>)
      tpu.yield
    }) : () -> ()
    %multiple_of3A_64 = arith.constant 9864 : i32
    %multiple_of3A_65 = tpu.assume_multiple %multiple_of3A_64, 8 : i32
    %dma_wait3A_66 = tpu.memref_slice %arg7[%multiple_of3A_65] : memref<10080xi32, #tpu.memory_space<vmem>> -> memref<72xi32, #tpu.memory_space<vmem>>
    %dma_wait3A_67 = arith.constant 0 : i32
    %dma_wait3A_68 = arith.constant 0 : i32
    %dma_wait3A_69 = tpu.memref_slice %arg2[%dma_wait3A_67, %dma_wait3A_68] : memref<10112x128xf32, #tpu.memory_space<hbm>> -> memref<10112x128xf32, #tpu.memory_space<hbm>>
    tpu.wait_indirect_dma semaphore(%arg18 : memref<!tpu.dma_semaphore, #tpu.memory_space<semaphore_mem>>) src(%dma_wait3A_69 : memref<10112x128xf32, #tpu.memory_space<hbm>>) dst(%arg13 : memref<72x128xf32, #tpu.memory_space<vmem>>)
    %add3A_70 = arith.constant 9864 : i32
    %add3A_71 = arith.addi %multiple_of3A_5, %add3A_70 : i32
    %multiple_of3A_72 = tpu.assume_multiple %add3A_71, 8 : i32
    %dma_wait3A_73 = tpu.memref_slice %arg4[%multiple_of3A_72] : memref<322560xi32, #tpu.memory_space<hbm>> -> memref<72xi32, #tpu.memory_space<hbm>>
    %dma_wait3A_74 = tpu.memref_slice %arg4[%multiple_of3A_72] : memref<322560xi32, #tpu.memory_space<hbm>> -> memref<72xi32, #tpu.memory_space<hbm>>
    tpu.wait_dma2 semaphore(%arg22 : memref<!tpu.dma_semaphore, #tpu.memory_space<semaphore_mem>>) src(%dma_wait3A_74 : memref<72xi32, #tpu.memory_space<hbm>>) dst(%arg9 : memref<72xi32, #tpu.memory_space<vmem>>)
    "tpu.region"() ({
      %run_scoped3A = tpu.sem_alloc : memref<!tpu.dma_semaphore, #tpu.memory_space<semaphore_mem>>
      %dma_start3A_98 = arith.constant 0 : i32
      %dma_start3A_99 = arith.constant 0 : i32
      %dma_start3A_100 = tpu.memref_slice %arg16[%dma_start3A_98, %dma_start3A_99] : memref<10112x128xf32, #tpu.memory_space<vmem_shared>> -> memref<10112x128xf32, #tpu.memory_space<vmem_shared>>
      tpu.enqueue_indirect_dma source(%arg13 : memref<72x128xf32, #tpu.memory_space<vmem>>) target(%dma_start3A_100 : memref<10112x128xf32, #tpu.memory_space<vmem_shared>>) offsets(%arg9 : memref<72xi32, #tpu.memory_space<vmem>>) semaphore(%run_scoped3A : memref<!tpu.dma_semaphore, #tpu.memory_space<semaphore_mem>>) {add = true}
      %dma_wait3A_101 = arith.constant 0 : i32
      %dma_wait3A_102 = arith.constant 0 : i32
      %dma_wait3A_103 = tpu.memref_slice %arg16[%dma_wait3A_101, %dma_wait3A_102] : memref<10112x128xf32, #tpu.memory_space<vmem_shared>> -> memref<10112x128xf32, #tpu.memory_space<vmem_shared>>
      tpu.wait_indirect_dma semaphore(%run_scoped3A : memref<!tpu.dma_semaphore, #tpu.memory_space<semaphore_mem>>) src(%arg13 : memref<72x128xf32, #tpu.memory_space<vmem>>) dst(%dma_wait3A_103 : memref<10112x128xf32, #tpu.memory_space<vmem_shared>>)
      tpu.yield
    }) : () -> ()
    %multiple_of3A_75 = arith.constant 9936 : i32
    %multiple_of3A_76 = tpu.assume_multiple %multiple_of3A_75, 8 : i32
    %dma_wait3A_77 = tpu.memref_slice %arg7[%multiple_of3A_76] : memref<10080xi32, #tpu.memory_space<vmem>> -> memref<72xi32, #tpu.memory_space<vmem>>
    %dma_wait3A_78 = arith.constant 0 : i32
    %dma_wait3A_79 = arith.constant 0 : i32
    %dma_wait3A_80 = tpu.memref_slice %arg2[%dma_wait3A_78, %dma_wait3A_79] : memref<10112x128xf32, #tpu.memory_space<hbm>> -> memref<10112x128xf32, #tpu.memory_space<hbm>>
    tpu.wait_indirect_dma semaphore(%arg19 : memref<!tpu.dma_semaphore, #tpu.memory_space<semaphore_mem>>) src(%dma_wait3A_80 : memref<10112x128xf32, #tpu.memory_space<hbm>>) dst(%arg14 : memref<72x128xf32, #tpu.memory_space<vmem>>)
    %add3A_81 = arith.constant 9936 : i32
    %add3A_82 = arith.addi %multiple_of3A_5, %add3A_81 : i32
    %multiple_of3A_83 = tpu.assume_multiple %add3A_82, 8 : i32
    %dma_wait3A_84 = tpu.memref_slice %arg4[%multiple_of3A_83] : memref<322560xi32, #tpu.memory_space<hbm>> -> memref<72xi32, #tpu.memory_space<hbm>>
    %dma_wait3A_85 = tpu.memref_slice %arg4[%multiple_of3A_83] : memref<322560xi32, #tpu.memory_space<hbm>> -> memref<72xi32, #tpu.memory_space<hbm>>
    tpu.wait_dma2 semaphore(%arg23 : memref<!tpu.dma_semaphore, #tpu.memory_space<semaphore_mem>>) src(%dma_wait3A_85 : memref<72xi32, #tpu.memory_space<hbm>>) dst(%arg10 : memref<72xi32, #tpu.memory_space<vmem>>)
    "tpu.region"() ({
      %run_scoped3A = tpu.sem_alloc : memref<!tpu.dma_semaphore, #tpu.memory_space<semaphore_mem>>
      %dma_start3A_98 = arith.constant 0 : i32
      %dma_start3A_99 = arith.constant 0 : i32
      %dma_start3A_100 = tpu.memref_slice %arg16[%dma_start3A_98, %dma_start3A_99] : memref<10112x128xf32, #tpu.memory_space<vmem_shared>> -> memref<10112x128xf32, #tpu.memory_space<vmem_shared>>
      tpu.enqueue_indirect_dma source(%arg14 : memref<72x128xf32, #tpu.memory_space<vmem>>) target(%dma_start3A_100 : memref<10112x128xf32, #tpu.memory_space<vmem_shared>>) offsets(%arg10 : memref<72xi32, #tpu.memory_space<vmem>>) semaphore(%run_scoped3A : memref<!tpu.dma_semaphore, #tpu.memory_space<semaphore_mem>>) {add = true}
      %dma_wait3A_101 = arith.constant 0 : i32
      %dma_wait3A_102 = arith.constant 0 : i32
      %dma_wait3A_103 = tpu.memref_slice %arg16[%dma_wait3A_101, %dma_wait3A_102] : memref<10112x128xf32, #tpu.memory_space<vmem_shared>> -> memref<10112x128xf32, #tpu.memory_space<vmem_shared>>
      tpu.wait_indirect_dma semaphore(%run_scoped3A : memref<!tpu.dma_semaphore, #tpu.memory_space<semaphore_mem>>) src(%arg14 : memref<72x128xf32, #tpu.memory_space<vmem>>) dst(%dma_wait3A_103 : memref<10112x128xf32, #tpu.memory_space<vmem_shared>>)
      tpu.yield
    }) : () -> ()
    %multiple_of3A_86 = arith.constant 10008 : i32
    %multiple_of3A_87 = tpu.assume_multiple %multiple_of3A_86, 8 : i32
    %dma_wait3A_88 = tpu.memref_slice %arg7[%multiple_of3A_87] : memref<10080xi32, #tpu.memory_space<vmem>> -> memref<72xi32, #tpu.memory_space<vmem>>
    %dma_wait3A_89 = arith.constant 0 : i32
    %dma_wait3A_90 = arith.constant 0 : i32
    %dma_wait3A_91 = tpu.memref_slice %arg2[%dma_wait3A_89, %dma_wait3A_90] : memref<10112x128xf32, #tpu.memory_space<hbm>> -> memref<10112x128xf32, #tpu.memory_space<hbm>>
    tpu.wait_indirect_dma semaphore(%arg20 : memref<!tpu.dma_semaphore, #tpu.memory_space<semaphore_mem>>) src(%dma_wait3A_91 : memref<10112x128xf32, #tpu.memory_space<hbm>>) dst(%arg15 : memref<72x128xf32, #tpu.memory_space<vmem>>)
    %add3A_92 = arith.constant 10008 : i32
    %add3A_93 = arith.addi %multiple_of3A_5, %add3A_92 : i32
    %multiple_of3A_94 = tpu.assume_multiple %add3A_93, 8 : i32
    %dma_wait3A_95 = tpu.memref_slice %arg4[%multiple_of3A_94] : memref<322560xi32, #tpu.memory_space<hbm>> -> memref<72xi32, #tpu.memory_space<hbm>>
    %dma_wait3A_96 = tpu.memref_slice %arg4[%multiple_of3A_94] : memref<322560xi32, #tpu.memory_space<hbm>> -> memref<72xi32, #tpu.memory_space<hbm>>
    tpu.wait_dma2 semaphore(%arg24 : memref<!tpu.dma_semaphore, #tpu.memory_space<semaphore_mem>>) src(%dma_wait3A_96 : memref<72xi32, #tpu.memory_space<hbm>>) dst(%arg11 : memref<72xi32, #tpu.memory_space<vmem>>)
    "tpu.region"() ({
      %run_scoped3A = tpu.sem_alloc : memref<!tpu.dma_semaphore, #tpu.memory_space<semaphore_mem>>
      %dma_start3A_98 = arith.constant 0 : i32
      %dma_start3A_99 = arith.constant 0 : i32
      %dma_start3A_100 = tpu.memref_slice %arg16[%dma_start3A_98, %dma_start3A_99] : memref<10112x128xf32, #tpu.memory_space<vmem_shared>> -> memref<10112x128xf32, #tpu.memory_space<vmem_shared>>
      tpu.enqueue_indirect_dma source(%arg15 : memref<72x128xf32, #tpu.memory_space<vmem>>) target(%dma_start3A_100 : memref<10112x128xf32, #tpu.memory_space<vmem_shared>>) offsets(%arg11 : memref<72xi32, #tpu.memory_space<vmem>>) semaphore(%run_scoped3A : memref<!tpu.dma_semaphore, #tpu.memory_space<semaphore_mem>>) {add = true}
      %dma_wait3A_101 = arith.constant 0 : i32
      %dma_wait3A_102 = arith.constant 0 : i32
      %dma_wait3A_103 = tpu.memref_slice %arg16[%dma_wait3A_101, %dma_wait3A_102] : memref<10112x128xf32, #tpu.memory_space<vmem_shared>> -> memref<10112x128xf32, #tpu.memory_space<vmem_shared>>
      tpu.wait_indirect_dma semaphore(%run_scoped3A : memref<!tpu.dma_semaphore, #tpu.memory_space<semaphore_mem>>) src(%arg15 : memref<72x128xf32, #tpu.memory_space<vmem>>) dst(%dma_wait3A_103 : memref<10112x128xf32, #tpu.memory_space<vmem_shared>>)
      tpu.yield
    }) : () -> ()
    %barrier3A_97 = arith.constant 0 : index
    tpu.barrier barrier_id(%barrier3A_97)
    "tpu.region"() ({
      %run_scoped3A = tpu.sem_alloc : memref<!tpu.dma_semaphore, #tpu.memory_space<semaphore_mem>>
      %dma_start3A_98 = arith.constant 0 : i32
      %dma_start3A_99 = tpu.memref_slice %arg6[%arg0, %multiple_of3A, %dma_start3A_98] : memref<2x10112x128xf32, #tpu.memory_space<hbm>> -> memref<1x632x128xf32, #tpu.memory_space<hbm>>
      %dma_start3A_100 = tpu.memref_squeeze %dma_start3A_99 : memref<1x632x128xf32, #tpu.memory_space<hbm>> -> memref<632x128xf32, #tpu.memory_space<hbm>>
      %dma_start3A_101 = arith.constant 0 : i32
      %dma_start3A_102 = tpu.memref_slice %arg16[%multiple_of3A, %dma_start3A_101] : memref<10112x128xf32, #tpu.memory_space<vmem_shared>> -> memref<632x128xf32, #tpu.memory_space<vmem_shared>>
      tpu.enqueue_dma source(%dma_start3A_102 : memref<632x128xf32, #tpu.memory_space<vmem_shared>>) target(%dma_start3A_100 : memref<632x128xf32, #tpu.memory_space<hbm>>) target_semaphore(%run_scoped3A : memref<!tpu.dma_semaphore, #tpu.memory_space<semaphore_mem>>)
      %dma_wait3A_103 = arith.constant 0 : i32
      %dma_wait3A_104 = tpu.memref_slice %arg6[%arg0, %multiple_of3A, %dma_wait3A_103] : memref<2x10112x128xf32, #tpu.memory_space<hbm>> -> memref<1x632x128xf32, #tpu.memory_space<hbm>>
      %dma_wait3A_105 = tpu.memref_squeeze %dma_wait3A_104 : memref<1x632x128xf32, #tpu.memory_space<hbm>> -> memref<632x128xf32, #tpu.memory_space<hbm>>
      %dma_wait3A_106 = arith.constant 0 : i32
      %dma_wait3A_107 = tpu.memref_slice %arg16[%multiple_of3A, %dma_wait3A_106] : memref<10112x128xf32, #tpu.memory_space<vmem_shared>> -> memref<632x128xf32, #tpu.memory_space<vmem_shared>>
      tpu.wait_dma2 semaphore(%run_scoped3A : memref<!tpu.dma_semaphore, #tpu.memory_space<semaphore_mem>>) src(%dma_wait3A_107 : memref<632x128xf32, #tpu.memory_space<vmem_shared>>) dst(%dma_wait3A_105 : memref<632x128xf32, #tpu.memory_space<hbm>>)
      tpu.yield
    }) : () -> ()
    return
  }
}

module attributes {stable_mosaic.version = 14 : i64} {
  func.func @_tc_pre_body(%arg0: memref<10000x128xf32, #tpu.memory_space<vmem>>, %arg1: memref<32x10112xf32, #tpu.memory_space<vmem>>, %arg2: memref<10112x128xf32, #tpu.memory_space<vmem>>) attributes {dimension_semantics = [], scalar_prefetch = 0 : i64, scratch_operands = 0 : i64, tpu.core_type = #tpu.core_type<tc>} {
    %get3A = arith.constant 0 : index
    %get3A_0 = arith.constant 0 : index
    %get3A_1 = vector.load %arg1[%get3A, %get3A_0] : memref<32x10112xf32, #tpu.memory_space<vmem>>, vector<32x10112xf32>
    %reduce_sum3A = arith.constant dense<0.000000e+00> : vector<10112xf32>
    %reduce_sum3A_2 = vector.multi_reduction <add>, %get3A_1, %reduce_sum3A [0] : vector<32x10112xf32> to vector<10112xf32>
    %broadcast_in_dim3A = vector.shape_cast %reduce_sum3A_2 : vector<10112xf32> to vector<10112x1xf32>
    %max3A = arith.constant 1.000000e+00 : f32
    %max3A_3 = vector.broadcast %max3A : f32 to vector<10112x1xf32>
    %max3A_4 = arith.maximumf %broadcast_in_dim3A, %max3A_3 : vector<10112x1xf32>
    %rsqrt3A = math.rsqrt %max3A_4 : vector<10112x1xf32>
    %get3A_5 = arith.constant 0 : index
    %get3A_6 = arith.constant 0 : index
    %get3A_7 = vector.load %arg0[%get3A_5, %get3A_6] : memref<10000x128xf32, #tpu.memory_space<vmem>>, vector<10000x128xf32>
    %slice3A = vector.extract_strided_slice %rsqrt3A {offsets = [0, 0], sizes = [10000, 1], strides = [1, 1]} : vector<10112x1xf32> to vector<10000x1xf32>
    %mul3A = vector.broadcast %slice3A : vector<10000x1xf32> to vector<10000x128xf32>
    %mul3A_8 = arith.mulf %get3A_7, %mul3A : vector<10000x128xf32>
    %swap3A = arith.constant 0 : index
    %swap3A_9 = arith.constant 0 : index
    %swap3A_10 = vector.load %arg2[%swap3A, %swap3A_9] : memref<10112x128xf32, #tpu.memory_space<vmem>>, vector<10000x128xf32>
    tpu.vector_store %arg2[%swap3A, %swap3A_9], %mul3A_8 {strides = array<i32>} : memref<10112x128xf32, #tpu.memory_space<vmem>>, vector<10000x128xf32>,
    %broadcast_in_dim3A_11 = arith.constant 0.000000e+00 : f32
    %broadcast_in_dim3A_12 = vector.broadcast %broadcast_in_dim3A_11 : f32 to vector<112x128xf32>
    %swap3A_13 = arith.constant 10000 : index
    %swap3A_14 = arith.constant 0 : index
    %swap3A_15 = vector.load %arg2[%swap3A_13, %swap3A_14] : memref<10112x128xf32, #tpu.memory_space<vmem>>, vector<112x128xf32>
    tpu.vector_store %arg2[%swap3A_13, %swap3A_14], %broadcast_in_dim3A_12 {strides = array<i32>} : memref<10112x128xf32, #tpu.memory_space<vmem>>, vector<112x128xf32>,
    return
  }
}

module attributes {stable_mosaic.version = 14 : i64} {
  func.func @_tc_mid_body(%arg0: memref<2x10112x128xf32, #tpu.memory_space<vmem>>, %arg1: memref<128x128xf32, #tpu.memory_space<vmem>>, %arg2: memref<1x128xf32, #tpu.memory_space<vmem>>, %arg3: memref<32x10112xf32, #tpu.memory_space<vmem>>, %arg4: memref<32x10112xf32, #tpu.memory_space<vmem>>, %arg5: memref<10112x128xf32, #tpu.memory_space<vmem>>) attributes {dimension_semantics = [], scalar_prefetch = 0 : i64, scratch_operands = 0 : i64, tpu.core_type = #tpu.core_type<tc>} {
    %get3A = arith.constant 0 : index
    %get3A_0 = arith.constant 0 : index
    %get3A_1 = arith.constant 0 : index
    %get3A_2 = vector.load %arg0[%get3A, %get3A_0, %get3A_1] : memref<2x10112x128xf32, #tpu.memory_space<vmem>>, vector<1x10112x128xf32>
    %get3A_3 = vector.shape_cast %get3A_2 : vector<1x10112x128xf32> to vector<10112x128xf32>
    %get3A_4 = arith.constant 1 : index
    %get3A_5 = arith.constant 0 : index
    %get3A_6 = arith.constant 0 : index
    %get3A_7 = vector.load %arg0[%get3A_4, %get3A_5, %get3A_6] : memref<2x10112x128xf32, #tpu.memory_space<vmem>>, vector<1x10112x128xf32>
    %get3A_8 = vector.shape_cast %get3A_7 : vector<1x10112x128xf32> to vector<10112x128xf32>
    %add3A = arith.addf %get3A_3, %get3A_8 : vector<10112x128xf32>
    %get3A_9 = arith.constant 0 : index
    %get3A_10 = arith.constant 0 : index
    %get3A_11 = vector.load %arg4[%get3A_9, %get3A_10] : memref<32x10112xf32, #tpu.memory_space<vmem>>, vector<32x10112xf32>
    %reduce_sum3A = arith.constant dense<0.000000e+00> : vector<10112xf32>
    %reduce_sum3A_12 = vector.multi_reduction <add>, %get3A_11, %reduce_sum3A [0] : vector<32x10112xf32> to vector<10112xf32>
    %broadcast_in_dim3A = vector.shape_cast %reduce_sum3A_12 : vector<10112xf32> to vector<10112x1xf32>
    %max3A = arith.constant 1.000000e+00 : f32
    %max3A_13 = vector.broadcast %max3A : f32 to vector<10112x1xf32>
    %max3A_14 = arith.maximumf %broadcast_in_dim3A, %max3A_13 : vector<10112x1xf32>
    %rsqrt3A = math.rsqrt %max3A_14 : vector<10112x1xf32>
    %get3A_15 = arith.constant 0 : index
    %get3A_16 = arith.constant 0 : index
    %get3A_17 = vector.load %arg3[%get3A_15, %get3A_16] : memref<32x10112xf32, #tpu.memory_space<vmem>>, vector<32x10112xf32>
    %reduce_sum3A_18 = arith.constant dense<0.000000e+00> : vector<10112xf32>
    %reduce_sum3A_19 = vector.multi_reduction <add>, %get3A_17, %reduce_sum3A_18 [0] : vector<32x10112xf32> to vector<10112xf32>
    %broadcast_in_dim3A_20 = vector.shape_cast %reduce_sum3A_19 : vector<10112xf32> to vector<10112x1xf32>
    %max3A_21 = arith.constant 1.000000e+00 : f32
    %max3A_22 = vector.broadcast %max3A_21 : f32 to vector<10112x1xf32>
    %max3A_23 = arith.maximumf %broadcast_in_dim3A_20, %max3A_22 : vector<10112x1xf32>
    %rsqrt3A_24 = math.rsqrt %max3A_23 : vector<10112x1xf32>
    %get3A_25 = arith.constant 0 : index
    %get3A_26 = arith.constant 0 : index
    %get3A_27 = vector.load %arg1[%get3A_25, %get3A_26] : memref<128x128xf32, #tpu.memory_space<vmem>>, vector<128x128xf32>
    %dot_general3A = arith.constant dense<0.000000e+00> : vector<10112x128xf32>
    %dot_general3A_28 = tpu.matmul %add3A, %get3A_27, %dot_general3A {dimension_numbers = #tpu.dot_dimension_numbers<[1], [0], [0], [1], [0, 0, 1, 1], [], []>, transpose_lhs_hint = false} : vector<10112x128xf32>, vector<128x128xf32>, vector<10112x128xf32> -> vector<10112x128xf32>
    %mul3A = vector.broadcast %rsqrt3A : vector<10112x1xf32> to vector<10112x128xf32>
    %mul3A_29 = arith.mulf %dot_general3A_28, %mul3A : vector<10112x128xf32>
    %get3A_30 = arith.constant 0 : index
    %get3A_31 = arith.constant 0 : index
    %get3A_32 = vector.load %arg2[%get3A_30, %get3A_31] : memref<1x128xf32, #tpu.memory_space<vmem>>, vector<1x128xf32>
    %add3A_33 = vector.broadcast %get3A_32 : vector<1x128xf32> to vector<10112x128xf32>
    %add3A_34 = arith.addf %mul3A_29, %add3A_33 : vector<10112x128xf32>
    %max3A_35 = arith.constant 0.000000e+00 : f32
    %max3A_36 = vector.broadcast %max3A_35 : f32 to vector<10112x128xf32>
    %max3A_37 = arith.maximumf %add3A_34, %max3A_36 : vector<10112x128xf32>
    %slice3A = vector.extract_strided_slice %max3A_37 {offsets = [0, 0], sizes = [10000, 128], strides = [1, 1]} : vector<10112x128xf32> to vector<10000x128xf32>
    %slice3A_38 = vector.extract_strided_slice %rsqrt3A_24 {offsets = [0, 0], sizes = [10000, 1], strides = [1, 1]} : vector<10112x1xf32> to vector<10000x1xf32>
    %mul3A_39 = vector.broadcast %slice3A_38 : vector<10000x1xf32> to vector<10000x128xf32>
    %mul3A_40 = arith.mulf %slice3A, %mul3A_39 : vector<10000x128xf32>
    %swap3A = arith.constant 0 : index
    %swap3A_41 = arith.constant 0 : index
    %swap3A_42 = vector.load %arg5[%swap3A, %swap3A_41] : memref<10112x128xf32, #tpu.memory_space<vmem>>, vector<10000x128xf32>
    tpu.vector_store %arg5[%swap3A, %swap3A_41], %mul3A_40 {strides = array<i32>} : memref<10112x128xf32, #tpu.memory_space<vmem>>, vector<10000x128xf32>,
    %broadcast_in_dim3A_43 = arith.constant 0.000000e+00 : f32
    %broadcast_in_dim3A_44 = vector.broadcast %broadcast_in_dim3A_43 : f32 to vector<112x128xf32>
    %swap3A_45 = arith.constant 10000 : index
    %swap3A_46 = arith.constant 0 : index
    %swap3A_47 = vector.load %arg5[%swap3A_45, %swap3A_46] : memref<10112x128xf32, #tpu.memory_space<vmem>>, vector<112x128xf32>
    tpu.vector_store %arg5[%swap3A_45, %swap3A_46], %broadcast_in_dim3A_44 {strides = array<i32>} : memref<10112x128xf32, #tpu.memory_space<vmem>>, vector<112x128xf32>,
    return
  }
}

module attributes {stable_mosaic.version = 14 : i64} {
  func.func @_tc_post_body(%arg0: memref<2x10112x128xf32, #tpu.memory_space<vmem>>, %arg1: memref<128x128xf32, #tpu.memory_space<vmem>>, %arg2: memref<1x128xf32, #tpu.memory_space<vmem>>, %arg3: memref<32x10112xf32, #tpu.memory_space<vmem>>, %arg4: memref<128x64xf32, #tpu.memory_space<vmem>>, %arg5: memref<1x64xf32, #tpu.memory_space<vmem>>, %arg6: memref<64x32xf32, #tpu.memory_space<vmem>>, %arg7: memref<1x32xf32, #tpu.memory_space<vmem>>, %arg8: memref<32x16xf32, #tpu.memory_space<vmem>>, %arg9: memref<1x16xf32, #tpu.memory_space<vmem>>, %arg10: memref<16x1xf32, #tpu.memory_space<vmem>>, %arg11: memref<1x1xf32, #tpu.memory_space<vmem>>, %arg12: memref<1x1xf32, #tpu.memory_space<vmem>>) attributes {dimension_semantics = [], scalar_prefetch = 0 : i64, scratch_operands = 0 : i64, tpu.core_type = #tpu.core_type<tc>} {
    %get3A = arith.constant 0 : index
    %get3A_0 = arith.constant 0 : index
    %get3A_1 = arith.constant 0 : index
    %get3A_2 = vector.load %arg0[%get3A, %get3A_0, %get3A_1] : memref<2x10112x128xf32, #tpu.memory_space<vmem>>, vector<1x10000x128xf32>
    %get3A_3 = vector.shape_cast %get3A_2 : vector<1x10000x128xf32> to vector<10000x128xf32>
    %get3A_4 = arith.constant 1 : index
    %get3A_5 = arith.constant 0 : index
    %get3A_6 = arith.constant 0 : index
    %get3A_7 = vector.load %arg0[%get3A_4, %get3A_5, %get3A_6] : memref<2x10112x128xf32, #tpu.memory_space<vmem>>, vector<1x10000x128xf32>
    %get3A_8 = vector.shape_cast %get3A_7 : vector<1x10000x128xf32> to vector<10000x128xf32>
    %add3A = arith.addf %get3A_3, %get3A_8 : vector<10000x128xf32>
    %get3A_9 = arith.constant 0 : index
    %get3A_10 = arith.constant 0 : index
    %get3A_11 = vector.load %arg3[%get3A_9, %get3A_10] : memref<32x10112xf32, #tpu.memory_space<vmem>>, vector<32x10112xf32>
    %reduce_sum3A = arith.constant dense<0.000000e+00> : vector<10112xf32>
    %reduce_sum3A_12 = vector.multi_reduction <add>, %get3A_11, %reduce_sum3A [0] : vector<32x10112xf32> to vector<10112xf32>
    %broadcast_in_dim3A = vector.shape_cast %reduce_sum3A_12 : vector<10112xf32> to vector<10112x1xf32>
    %max3A = arith.constant 1.000000e+00 : f32
    %max3A_13 = vector.broadcast %max3A : f32 to vector<10112x1xf32>
    %max3A_14 = arith.maximumf %broadcast_in_dim3A, %max3A_13 : vector<10112x1xf32>
    %rsqrt3A = math.rsqrt %max3A_14 : vector<10112x1xf32>
    %slice3A = vector.extract_strided_slice %rsqrt3A {offsets = [0, 0], sizes = [10000, 1], strides = [1, 1]} : vector<10112x1xf32> to vector<10000x1xf32>
    %get3A_15 = arith.constant 0 : index
    %get3A_16 = arith.constant 0 : index
    %get3A_17 = vector.load %arg1[%get3A_15, %get3A_16] : memref<128x128xf32, #tpu.memory_space<vmem>>, vector<128x128xf32>
    %dot_general3A = arith.constant dense<0.000000e+00> : vector<10000x128xf32>
    %dot_general3A_18 = tpu.matmul %add3A, %get3A_17, %dot_general3A {dimension_numbers = #tpu.dot_dimension_numbers<[1], [0], [0], [1], [0, 0, 1, 1], [], []>, transpose_lhs_hint = false} : vector<10000x128xf32>, vector<128x128xf32>, vector<10000x128xf32> -> vector<10000x128xf32>
    %mul3A = vector.broadcast %slice3A : vector<10000x1xf32> to vector<10000x128xf32>
    %mul3A_19 = arith.mulf %dot_general3A_18, %mul3A : vector<10000x128xf32>
    %get3A_20 = arith.constant 0 : index
    %get3A_21 = arith.constant 0 : index
    %get3A_22 = vector.load %arg2[%get3A_20, %get3A_21] : memref<1x128xf32, #tpu.memory_space<vmem>>, vector<1x128xf32>
    %add3A_23 = vector.broadcast %get3A_22 : vector<1x128xf32> to vector<10000x128xf32>
    %add3A_24 = arith.addf %mul3A_19, %add3A_23 : vector<10000x128xf32>
    %max3A_25 = arith.constant 0.000000e+00 : f32
    %max3A_26 = vector.broadcast %max3A_25 : f32 to vector<10000x128xf32>
    %max3A_27 = arith.maximumf %add3A_24, %max3A_26 : vector<10000x128xf32>
    %reduce_sum3A_28 = arith.constant dense<0.000000e+00> : vector<128xf32>
    %reduce_sum3A_29 = vector.multi_reduction <add>, %max3A_27, %reduce_sum3A_28 [0] : vector<10000x128xf32> to vector<128xf32>
    %broadcast_in_dim3A_30 = vector.shape_cast %reduce_sum3A_29 : vector<128xf32> to vector<1x128xf32>
    %div3A = arith.constant 1.000000e+04 : f32
    %div3A_31 = vector.broadcast %div3A : f32 to vector<1x128xf32>
    %div3A_32 = arith.divf %broadcast_in_dim3A_30, %div3A_31 : vector<1x128xf32>
    %get3A_33 = arith.constant 0 : index
    %get3A_34 = arith.constant 0 : index
    %get3A_35 = vector.load %arg4[%get3A_33, %get3A_34] : memref<128x64xf32, #tpu.memory_space<vmem>>, vector<128x64xf32>
    %dot_general3A_36 = arith.constant dense<0.000000e+00> : vector<1x64xf32>
    %dot_general3A_37 = tpu.matmul %div3A_32, %get3A_35, %dot_general3A_36 {dimension_numbers = #tpu.dot_dimension_numbers<[1], [0], [0], [1], [0, 0, 1, 1], [], []>, transpose_lhs_hint = false} : vector<1x128xf32>, vector<128x64xf32>, vector<1x64xf32> -> vector<1x64xf32>
    %get3A_38 = arith.constant 0 : index
    %get3A_39 = arith.constant 0 : index
    %get3A_40 = vector.load %arg5[%get3A_38, %get3A_39] : memref<1x64xf32, #tpu.memory_space<vmem>>, vector<1x64xf32>
    %add3A_41 = arith.addf %dot_general3A_37, %get3A_40 : vector<1x64xf32>
    %max3A_42 = arith.constant 0.000000e+00 : f32
    %max3A_43 = vector.broadcast %max3A_42 : f32 to vector<1x64xf32>
    %max3A_44 = arith.maximumf %add3A_41, %max3A_43 : vector<1x64xf32>
    %get3A_45 = arith.constant 0 : index
    %get3A_46 = arith.constant 0 : index
    %get3A_47 = vector.load %arg6[%get3A_45, %get3A_46] : memref<64x32xf32, #tpu.memory_space<vmem>>, vector<64x32xf32>
    %dot_general3A_48 = arith.constant dense<0.000000e+00> : vector<1x32xf32>
    %dot_general3A_49 = tpu.matmul %max3A_44, %get3A_47, %dot_general3A_48 {dimension_numbers = #tpu.dot_dimension_numbers<[1], [0], [0], [1], [0, 0, 1, 1], [], []>, transpose_lhs_hint = false} : vector<1x64xf32>, vector<64x32xf32>, vector<1x32xf32> -> vector<1x32xf32>
    %get3A_50 = arith.constant 0 : index
    %get3A_51 = arith.constant 0 : index
    %get3A_52 = vector.load %arg7[%get3A_50, %get3A_51] : memref<1x32xf32, #tpu.memory_space<vmem>>, vector<1x32xf32>
    %add3A_53 = arith.addf %dot_general3A_49, %get3A_52 : vector<1x32xf32>
    %max3A_54 = arith.constant 0.000000e+00 : f32
    %max3A_55 = vector.broadcast %max3A_54 : f32 to vector<1x32xf32>
    %max3A_56 = arith.maximumf %add3A_53, %max3A_55 : vector<1x32xf32>
    %get3A_57 = arith.constant 0 : index
    %get3A_58 = arith.constant 0 : index
    %get3A_59 = vector.load %arg8[%get3A_57, %get3A_58] : memref<32x16xf32, #tpu.memory_space<vmem>>, vector<32x16xf32>
    %dot_general3A_60 = arith.constant dense<0.000000e+00> : vector<1x16xf32>
    %dot_general3A_61 = tpu.matmul %max3A_56, %get3A_59, %dot_general3A_60 {dimension_numbers = #tpu.dot_dimension_numbers<[1], [0], [0], [1], [0, 0, 1, 1], [], []>, transpose_lhs_hint = false} : vector<1x32xf32>, vector<32x16xf32>, vector<1x16xf32> -> vector<1x16xf32>
    %get3A_62 = arith.constant 0 : index
    %get3A_63 = arith.constant 0 : index
    %get3A_64 = vector.load %arg9[%get3A_62, %get3A_63] : memref<1x16xf32, #tpu.memory_space<vmem>>, vector<1x16xf32>
    %add3A_65 = arith.addf %dot_general3A_61, %get3A_64 : vector<1x16xf32>
    %max3A_66 = arith.constant 0.000000e+00 : f32
    %max3A_67 = vector.broadcast %max3A_66 : f32 to vector<1x16xf32>
    %max3A_68 = arith.maximumf %add3A_65, %max3A_67 : vector<1x16xf32>
    %get3A_69 = arith.constant 0 : index
    %get3A_70 = arith.constant 0 : index
    %get3A_71 = vector.load %arg10[%get3A_69, %get3A_70] : memref<16x1xf32, #tpu.memory_space<vmem>>, vector<16x1xf32>
    %reshape3A = vector.shape_cast %get3A_71 : vector<16x1xf32> to vector<1x16xf32>
    %mul3A_72 = arith.mulf %max3A_68, %reshape3A : vector<1x16xf32>
    %reduce_sum3A_73 = arith.constant dense<0.000000e+00> : vector<1xf32>
    %reduce_sum3A_74 = vector.multi_reduction <add>, %mul3A_72, %reduce_sum3A_73 [1] : vector<1x16xf32> to vector<1xf32>
    %broadcast_in_dim3A_75 = vector.shape_cast %reduce_sum3A_74 : vector<1xf32> to vector<1x1xf32>
    %get3A_76 = arith.constant 0 : index
    %get3A_77 = arith.constant 0 : index
    %get3A_78 = vector.load %arg11[%get3A_76, %get3A_77] : memref<1x1xf32, #tpu.memory_space<vmem>>, vector<1x1xf32>
    %add3A_79 = arith.addf %broadcast_in_dim3A_75, %get3A_78 : vector<1x1xf32>
    %swap3A = arith.constant 0 : index
    %swap3A_80 = arith.constant 0 : index
    %swap3A_81 = vector.load %arg12[%swap3A, %swap3A_80] : memref<1x1xf32, #tpu.memory_space<vmem>>, vector<1x1xf32>
    tpu.vector_store %arg12[%swap3A, %swap3A_80], %add3A_79 {strides = array<i32>} : memref<1x1xf32, #tpu.memory_space<vmem>>, vector<1x1xf32>,
    return
  }
}

</mosaic_0001>

<sc_bundles>
// kernel: kernel.11.cloned.1.call-start
scs
__scs_entry_jumppad:
0x0: {  	(pc) =	sbr.rel $0x88, $3  }
0x1: {  	(tag) =	ssettag $0x0;
	lr =	simm.s32 $0x1  }
0x2: {  	[smem:$0x3F93] =	sst lr;
	_ =	strace $0xD0000000  }
0x3: {  	_ = 	snop  }
0x4: {  	_ = 	snop  }
0x5: {  	_ = 	snop  }
0x6: {  	_ = 	snop  }
0x7: {  	_ = 	snop  }
__scs_overlays_trampoline_lowered:
0x8: {  	[smem:$0x3FA2] =	sst s0  }
0x9: {  	[smem:$0x3FA3] =	sst s1  }
0xa: {  	[smem:$0x3FA4] =	sst s2  }
0xb: {  	[smem:$0x3FA5] =	sst s3  }
0xc: {  	[smem:$0x3FA6] =	sst s4  }
0xd: {  	[smem:$0x3FA7] =	sst s5  }
0xe: {  	[smem:$0x3FA8] =	sst s6  }
0xf: {  	[smem:$0x3FA9] =	sst s7  }
0x10: {  	[smem:$0x3FAA] =	sst s8  }
0x11: {  	[smem:$0x3FAB] =	sst s9;
	s0 =	simm.s32 @!p0 $0x0  }
0x12: {  	s1 =	sld [smem:$0x3F91];
	s0 =	simm.s32 @p0 $0x1  }
0x13: {  	[smem:$0x3FAC] =	sst s0;
	s0 =	simm.s32 @!p1 $0x0  }
0x14: {  	s2 =	sld [smem:$0x3F90];
	s0 =	simm.s32 @p1 $0x1  }
0x15: {  	[smem:$0x3FAD] =	sst s0;
	s0 =	simm.s32 @!p2 $0x0  }
0x16: {  	s3 =	sld [smem:$0x3FDB];
	s0 =	simm.s32 @p2 $0x1  }
0x17: {  	s4 =	simm.s32 $0x1BF5;
	[smem:$0x3FAF] =	sst s0  }
0x18: {  	s0 =	sld [smem:$0x3F92];
	_ =	swait.ge [sflag:s4], $0x0  }
0x19: {  	s7 =	sld [smem:$0x3F93]  }
0x1a: {  	s8 =	sadd.s32 $0xFFFFE003, lr  }
0x1b: {  	s9 =	sadd.s32 $0xFFFFFEF7, lr;
	s5 =	simm.s32 $0xFFFFFFFF;
	p2 =	slt.u32 s8, $0xFFFFF086  }
0x1c: {  	p1 =	slt.u32 s9, $0xF7A;
	s5 =	simm.s32 @!p2 $0x0  }
0x1d: {  	s5 =	simm.s32 @p1 $0x1;
	p0 =	seq.s32 s7, s2  }
0x1e: {  	s7 =	smul.u32 @!p0 $0xF7A, s2;
	p2 =	seq.s32 @!p0 s5, $0x0  }
0x1f: {  	s9 =	smul.u32 $0xF7A, s1;
	s8 =	simm.s32 @!p0 $0x1BF5;
	p2 =	por !p2, p0  }
0x20: {  	[sflag:s8] =	ssyncset.s32 @!p0 $0xFFFFF086;
	s6 =	sadd.s32 @!p0 s3, s7;
	s7 =	simm.s32 @!p0 $0x108  }
0x21: {  	s3 =	sadd.s32 s3, s9;
	s6 =	sadd.s32 @!p0 $0x88, s6;
	s7 =	simm.s32 @p2 $0x1082  }
0x22: {  	[simem:s7], [sflag:s8] =	dma.local @!p0 [hbm:s6], $0xF7A  }
0x23: {  	s9 =	sor.u32 $0xD0000000, s2;
	s6 =	simm.s32 $0x108;
	_ =	swait.ge @!p0 [sflag:s8], $0x0  }
0x24: {  	s3 =	sadd.s32 $0x88, s3;
	s6 =	simm.s32 @!p1 $0x1082;
	[sflag:s4] =	ssyncset.s32 $0xFFFFF086  }
0x25: {  	[simem:s6], [sflag:s4] =	dma.local [hbm:s3], $0xF7A  }
0x26: {  	[smem:$0x3F93] =	sst s1;
	(tag) =	ssettag s2;
	_ =	strace s9  }
0x27: {  	s1 =	sld [smem:$0x3FA3]  }
0x28: {  	s2 =	sld [smem:$0x3FA4]  }
0x29: {  	s4 =	sld [smem:$0x3FA6]  }
0x2a: {  	p0 =	seq.s32 s5, $0x0;
	s5 =	sld [smem:$0x3FA7]  }
0x2b: {  	s6 =	sld [smem:$0x3FA8]  }
0x2c: {  	s7 =	sld [smem:$0x3FA9]  }
0x2d: {  	s3 =	simm.s32 $0x108;
	s8 =	sld [smem:$0x3FAA]  }
0x2e: {  	s3 =	simm.s32 @!p0 $0x1082;
	s9 =	sld [smem:$0x3FAB]  }
0x2f: {  	lr =	sadd.s32 s0, s3;
	s0 =	sld [smem:$0x3FA2]  }
0x30: {  	s3 =	sld [smem:$0x3FA5]  }
0x31: {  	[smem:$0x3FAE] =	sst s10  }
0x32: {  	s10 =	sld [smem:$0x3FAC];
	_ =	sdelay $0x3  }
0x33: {  	p0 =	seq.s32 s10, $0x1;
	s10 =	sld [smem:$0x3FAE];
	_ =	sdelay $0x3  }
0x34: {  	[smem:$0x3FAE] =	sst s10  }
0x35: {  	s10 =	sld [smem:$0x3FAD];
	_ =	sdelay $0x3  }
0x36: {  	p1 =	seq.s32 s10, $0x1;
	s10 =	sld [smem:$0x3FAE];
	_ =	sdelay $0x3  }
0x37: {  	[smem:$0x3FAE] =	sst s10  }
0x38: {  	s10 =	sld [smem:$0x3FAF]  }
0x39: {  	_ = 	snop;
	(pc) =	sbr.ind lr, $3  }
0x3a: {  	_ = 	snop  }
0x3b: {  	_ = 	snop  }
0x3c: {  	p2 =	seq.s32 s10, $0x1;
	s10 =	sld [smem:$0x3FAE]  }
0x3d: {  	_ =	shalt  }
0x3e: {  	_ =	shalt  }
0x3f: {  	_ =	shalt  }
0x40: {  	_ =	shalt  }
0x41: {  	_ =	shalt  }
0x42: {  	_ =	shalt  }
0x43: {  	_ =	shalt  }
0x44: {  	_ =	shalt  }
0x45: {  	_ =	shalt  }
0x46: {  	_ =	shalt  }
0x47: {  	_ =	shalt  }
0x48: {  	_ =	shalt  }
0x49: {  	_ =	shalt  }
0x4a: {  	_ =	shalt  }
0x4b: {  	_ =	shalt  }
0x4c: {  	_ =	shalt  }
0x4d: {  	_ =	shalt  }
0x4e: {  	_ =	shalt  }
0x4f: {  	_ =	shalt  }
0x50: {  	_ =	shalt  }
0x51: {  	_ =	shalt  }
0x52: {  	_ =	shalt  }
0x53: {  	_ =	shalt  }
0x54: {  	_ =	shalt  }
0x55: {  	_ =	shalt  }
0x56: {  	_ =	shalt  }
0x57: {  	_ =	shalt  }
0x58: {  	_ =	shalt  }
0x59: {  	_ =	shalt  }
0x5a: {  	_ =	shalt  }
0x5b: {  	_ =	shalt  }
0x5c: {  	_ =	shalt  }
0x5d: {  	_ =	shalt  }
0x5e: {  	_ =	shalt  }
0x5f: {  	_ =	shalt  }
0x60: {  	_ =	shalt  }
0x61: {  	_ =	shalt  }
0x62: {  	_ =	shalt  }
0x63: {  	_ =	shalt  }
0x64: {  	_ =	shalt  }
0x65: {  	_ =	shalt  }
0x66: {  	_ =	shalt  }
0x67: {  	_ =	shalt  }
0x68: {  	_ =	shalt  }
0x69: {  	_ =	shalt  }
0x6a: {  	_ =	shalt  }
0x6b: {  	_ =	shalt  }
0x6c: {  	_ =	shalt  }
0x6d: {  	_ =	shalt  }
0x6e: {  	_ =	shalt  }
0x6f: {  	_ =	shalt  }
0x70: {  	_ =	shalt  }
0x71: {  	_ =	shalt  }
0x72: {  	_ =	shalt  }
0x73: {  	_ =	shalt  }
0x74: {  	_ =	shalt  }
0x75: {  	_ =	shalt  }
0x76: {  	_ =	shalt  }
0x77: {  	_ =	shalt  }
0x78: {  	_ =	shalt  }
0x79: {  	_ =	shalt  }
0x7a: {  	_ =	shalt  }
0x7b: {  	_ =	shalt  }
0x7c: {  	_ =	shalt  }
0x7d: {  	_ =	shalt  }
0x7e: {  	_ =	shalt  }
0x7f: {  	_ =	shalt  }
0x80: {  	_ =	shalt  }
0x81: {  	_ =	shalt  }
0x82: {  	_ =	shalt  }
0x83: {  	_ =	shalt  }
0x84: {  	_ =	shalt  }
0x85: {  	_ =	shalt  }
0x86: {  	_ =	shalt  }
0x87: {  	_ =	shalt  }
.Lfunc_end0:
.L_simem_size_0:
called_computation.1_lowered:
.L_overlay_start_0:
0x88: {  	s2 =	sld [smem:$0x3FD9]  }
0x89: {  	s3 =	sld [smem:$0x3FFE];
	_ =	sdelay $0x1  }
0x8a: {  	s1 =	srdreg.scid  }
0x8b: {  	s0 =	sand.u32 $0x1, s1  }
0x8c: {  	s16 =	sshll.u32 s0, $0xA;
	s2 =	sadd.s32 s3, s2  }
0x8d: {  	s2 =	sadd.s32 s2, s16  }
0x8e: {  	[smem:$0x3FBA] =	sst s2  }
0x8f: {  	_ = 	snop  }
0x90: {  	(tm) =	ssettm $0x1  }
0x91: {  	s17 =	sld [smem:$0x3FFB];
	_ =	sdelay $0x3  }
0x92: {  	_ =	strace s17  }
0x93: {  	s2 =	sld [smem:$0x3FFC];
	_ =	sdelay $0x3  }
0x94: {  	_ =	strace s2  }
0x95: {  	s2 =	sld [smem:$0x3FFD];
	_ =	sdelay $0x3  }
0x96: {  	_ =	strace s2  }
0x97: {  	_ =	strace $0x8FFFFFFF  }
0x98: {  	s18 =	sld [smem:$0x3FDB];
	_ =	sdelay $0x1  }
0x99: {  	s19 =	simm.s32 $_scs_section_size  }
0x9a: {  	s4 =	simm.s32 $_size__tile_overlayer_lowered;
	s5 =	simm.s32 $_tile_overlayer_lowered  }
0x9b: {  	s22 =	simm.s32 $0x1BFF;
	s21 =	sshll.u32 s5, $0x1;
	s2 =	sadd.s32 s19, s18  }
0x9c: {  	s6 =	simm.s32 $0x0;
	s20 =	sshll.u32 s4, $0x1;
	s4 =	sadd.s32 s21, s2  }
0x9d: {  	[timem:s6], [sflag:s22] =	dma.local [hbm:s4], s20  }
0x9e: {  	_ =	swait.ge [sflag:s22], s20  }
0x9f: {  	s3 =	ssub.s32 $0x0, s20;
	[sflag:s22] =	ssyncset.done $0x0  }
0xa0: {  	[sflag:s22] =	ssyncadd.s32 s3;
	_ =	sdelay $0x1  }
0xa1: {  	s23 =	simm.s32 $0x1B8B  }
0xa2: {  	_ =	swait.ge [sflag:s23], $0x1  }
0xa3: {  	[sflag:s23] =	ssyncset.done $0x0  }
0xa4: {  	s25 =	simm.s32 $0x1B8E;
	s24 =	sld [smem:$0x3FFE];
	[sflag:s23] =	ssyncadd.s32 $0xFFFFFFFF  }
0xa5: {  	s26 =	simm.s32 $execute0_lowered;
	[smem:$0x3FD2] =	sst s25  }
0xa6: {  	s4 =	sshll.u32 s26, $0x1;
	_ =	strace $0x80000049;
	[dreg:$0x1] =	wrdreg $0xFFFFFFFF  }
0xa7: {  	s28 =	simm.s32 $_size_execute0_lowered;
	s2 =	sadd.s32 s2, s4;
	[dreg:$0x0] =	wrdreg $0x0  }
0xa8: {  	s4 =	sshll.u32 s28, $0x1;
	[dreg:$0x2] =	wrdreg s2  }
0xa9: {  	[dreg:$0x3] =	wrdreg s4  }
0xaa: {  	[dreg:$0x4] =	wrdreg $0xC0  }
0xab: {  	_ =	task [dreg:s6], $0x5FFFF  }
0xac: {  	[dreg:$0x1] =	wrdreg $0xFFFFFFFF  }
0xad: {  	[dreg:$0x0] =	wrdreg $0x60  }
0xae: {  	[dreg:$0x2] =	wrdreg s24  }
0xaf: {  	[dreg:$0x3] =	wrdreg $0xB9800  }
0xb0: {  	[dreg:$0x4] =	wrdreg $0x9  }
0xb1: {  	_ =	task.clear_ibuf [dreg:s6], $0x5FFFF;
	_ =	strace $0x90000049  }
0xb2: {  	s29 =	simm.s32 $0x9;
	_ =	strace $0x8000004B  }
0xb3: {  	_ =	swait.ge [sflag:s29], $0x1  }
0xb4: {  	[sflag:s29] =	ssyncadd.s32 $0xFFFFFFFF  }
0xb5: {  	_ =	strace $0x9000004B  }
0xb6: {  	_ =	sfence  }
0xb7: {  	s30 =	sld [smem:$0x0];
	_ =	sdelay $0x2  }
0xb8: {  	s31 =	sshll.u32 s1, $0xD;
	s1 =	sshrl.u32 s1, $0x2  }
0xb9: {  	s3 =	sand.u32 $0x4000, s31;
	s1 =	sadd.s32 s1, s30  }
0xba: {  	s0 =	sor.u32 s3, s0;
	s1 =	sshll.u32 s1, $0x11  }
0xbb: {  	s0 =	sor.u32 s1, s0  }
0xbc: {  	s0 =	sadd.s32 $0x8F2B, s0  }
0xbd: {  	[sflag:s0] =	ssyncadd.remote.s32 $0x1  }
0xbe: {  	_ =	sfence.sel $0xFFFF  }
0xbf: {  	[dreg:$0x0] =	wrdreg $0xFFFFFFFF;
	(pc) =	sbr.abs _section_cstart, $3  }
0xc0: {  	[dreg:$0x1] =	wrdreg $0xFFFFFFFF  }
0xc1: {  	_ =	task.clear_ibuf [dreg:s6], $0x2FFFF;
	_ =	strace $0x9FFFFFFF  }
0xc2: {  	(tm) =	ssettm $0x7FFFFFFF  }
0xc3: {  	_ =	shalt  }
tec
execute0_lowered:
.L_overlay_start_1:
0x0: {  	(tag) =	ssettag $0x1  }
0x1: {  	s0 =	srdreg.scid;
	s1 =	rddreg [dreg:$0x0]  }
0x2: {  	s13 =	stileid.u32;
	s2 =	rddreg [dreg:$0x1]  }
0x3: {  	s29 =	simm.s32 $0x7180;
	s30 =	simm.s32 $0x2900;
	s7 =	smul.u32 $0x13C00, s13  }
0x4: {  	s28 =	simm.s32 $0x5;
	s31 =	simm.s32 $0x2;
	s14 =	smul.u32 $0x4F000, s13  }
0x5: {  	s0 =	sand.u32 $0x1, s0;
	s5 =	sadd.s32 $0x3400, s1;
	s19 =	smul.u32 $0x2760, s13  }
0x6: {  	s16 =	sshll.u32 s13, $0x6;
	s3 =	sshll.u32 s0, $0x4;
	s9 =	smul.u32 $0x13C000, s0  }
0x7: {  	s12 =	ssub.s32 $0x2, s0;
	s0 =	smul.u32 $0x27600, s0;
	s4 =	sor.u32 s13, s3  }
0x8: {  	s3 =	simm.s32 $0x0;
	s11 =	sshrl.u32 s7, $0x3;
	s15 =	sshrl.u32 s12, $0x1  }
0x9: {  	s6 =	smul.u32 $0x2760, s4;
	[smem:$0x7FF] =	sst s3;
	s4 =	sadd.s32 $0x2AC00, s1  }
0xa: {  	s7 =	sadd.s32 s7, s9;
	s11 =	sadd.s32 s11, s1;
	s9 =	sshrl.u32 s14, $0x2  }
0xb: {  	s14 =	sor.u32 $0x1C09, s16;
	s0 =	sadd.s32 s19, s0;
	_ =	strace $0x8000004A  }
0xc: {  	s7 =	sshrl.u32 s7, $0x3;
	s9 =	sadd.s32 s9, s2;
	s11 =	sadd.s32 $0x52400, s11  }
0xd: {  	s22 =	sadd.s32 $0x1F8, s0;
	s23 =	sadd.s32 $0x1B0, s0;
	s24 =	sadd.s32 $0x168, s0  }
0xe: {  	s0 =	sadd.s32 $0x120, s0;
	s8 =	sshrl.u32 s6, $0x3;
	[dreg:$0x3] =	wrdreg s11  }
0xf: {  	s18 =	sadd.s32 $0x48, s6;
	s6 =	sadd.s32 $0xD8, s6;
	s26 =	sshrl.u32 s24, $0x3  }
0x10: {  	[dreg:$0xe] =	wrdreg s0;
	s13 =	sshrl.u32 s9, $0x3;
	s24 =	simm.s32 $0x2800  }
0x11: {  	s10 =	sadd.s32 s8, s1;
	s17 =	sadd.s32 s5, s8;
	[dreg:$0xf] =	wrdreg s13  }
0x12: {  	s8 =	sshrl.u32 s18, $0x3;
	s10 =	sadd.s32 $0xD200, s10;
	[dreg:$0x5] =	wrdreg s17  }
0x13: {  	s0 =	simm.s32 $0x1;
	s8 =	sadd.s32 s5, s8;
	[dreg:$0x4] =	wrdreg s10  }
0x14: {  	s6 =	sshrl.u32 s6, $0x3;
	s20 =	sadd.s32 $0x12, s17;
	[dreg:$0x6] =	wrdreg s8  }
0x15: {  	s1 =	sadd.s32 s7, s1;
	s6 =	sadd.s32 s5, s6;
	[dreg:$0x7] =	wrdreg s20  }
0x16: {  	s7 =	ssub.s32 s12, s15;
	s1 =	sadd.s32 $0x79C00, s1;
	[dreg:$0x8] =	wrdreg s6  }
0x17: {  	s11 =	simm.s32 $0x4;
	s21 =	smax.u32 s7, $0x1;
	[dreg:$0x9] =	wrdreg s1  }
0x18: {  	s9 =	simm.s32 $0x0;
	s12 =	simm.s32 $0x8;
	[dreg:$0xa] =	wrdreg s21  }
0x19: {  	s1 =	sshrl.u32 s22, $0x3;
	s6 =	sshrl.u32 s23, $0x3;
	s20 =	simm.s32 $0x9  }
0x1a: {  	s21 =	simm.s32 $0x2780;
	s22 =	simm.s32 $0x48;
	s23 =	simm.s32 $0x2980  }
0x1b: {  	s8 =	simm.s32 $0x3;
	s10 =	simm.s32 $0x7;
	s1 =	sadd.s32 s1, s5  }
0x1c: {  	s25 =	sadd.s32 s6, s5;
	s6 =	simm.s32 $0x6;
	[dreg:$0xb] =	wrdreg s1  }
0x1d: {  	[dreg:$0xc] =	wrdreg s25;
	s1 =	sadd.s32 s26, s5;
	s25 =	simm.s32 $0x4D80  }
0x1e: {  	s26 =	simm.s32 $0x2880;
	[dreg:$0xd] =	wrdreg s1;
	s1 =	simm.s32 $0x9580  }
.LBB2_1:
0x1f: {  	s7 =	rddreg [dreg:$0x3]  }
0x20: {  	[spmem:s13], [sflag:s14] =	dma.local [hbm:s7], $0x2780  }
0x21: {  	_ =	swait.ge [sflag:s20], $0x2780  }
0x22: {  	[sflag:s20] =	ssyncset.done $0x0  }
0x23: {  	s13 =	rddreg [dreg:$0x4];
	[sflag:s20] =	ssyncadd.s32 $0xFFFFD880  }
0x24: {  	[tilespmem:s3], [sflag:$0x9] =	stream.linear.gather [hbm4b:s13+s3], $0x2760, $0x38;
	[tilespmem:$0x1F580] =	vst v63  }
0x25: {  	_ =	swait.ge [sflag:s20], $0x2760  }
0x26: {  	[sflag:s20] =	ssyncset.done $0x0  }
0x27: {  	[sflag:s20] =	ssyncadd.s32 $0xFFFFD8A0  }
0x28: {  	[bflag:$0x0] =	sbarrier.arrive $0xFFFF  }
0x29: {  	s19 =	smov.u32 s14;
	s14 =	rddreg [dreg:$0x5]  }
0x2a: {  	[tilespmem:s21], [sflag:$0x5] =	stream.linear.gather [hbm4b:s14+s3], $0x48, $0x38;
	[tilespmem:$0x1F580] =	vst v63  }
0x2b: {  	_ = 	snop  }
0x2c: {  	[tilespmem:s23], [sflag:$0x1] =	stream.indirect.gather [hbm4b:s4+s22], $0x80, s3, s22, $0xb8;
	[tilespmem:$0x1F580] =	vst v63  }
0x2d: {  	s15 =	rddreg [dreg:$0x6]  }
0x2e: {  	[tilespmem:s24], [sflag:$0x6] =	stream.linear.gather [hbm4b:s15+s3], $0x48, $0x38;
	[tilespmem:$0x1F580] =	vst v63  }
0x2f: {  	_ = 	snop  }
0x30: {  	[tilespmem:s25], [sflag:$0x2] =	stream.indirect.gather [hbm4b:s4+s22], $0x80, s22, s22, $0xb8;
	[tilespmem:$0x1F580] =	vst v63  }
0x31: {  	s16 =	rddreg [dreg:$0x7]  }
0x32: {  	[tilespmem:s26], [sflag:$0x7] =	stream.linear.gather [hbm4b:s16+s3], $0x48, $0x38;
	[tilespmem:$0x1F580] =	vst v63  }
0x33: {  	s17 =	simm.s32 $0x90  }
0x34: {  	[tilespmem:s29], [sflag:$0x3] =	stream.indirect.gather [hbm4b:s4+s22], $0x80, s17, s22, $0xb8;
	[tilespmem:$0x1F580] =	vst v63  }
0x35: {  	s18 =	rddreg [dreg:$0x8]  }
0x36: {  	[tilespmem:s30], [sflag:$0x8] =	stream.linear.gather [hbm4b:s18+s3], $0x48, $0x38;
	[tilespmem:$0x1F580] =	vst v63  }
0x37: {  	s13 =	simm.s32 $0xD8  }
0x38: {  	[tilespmem:s1], [sflag:$0x4] =	stream.indirect.gather [hbm4b:s4+s22], $0x80, s13, s22, $0xb8;
	[tilespmem:$0x1F580] =	vst v63  }
0x39: {  	_ =	swait.ge [sflag:s0], $0x2400  }
0x3a: {  	[sflag:s0] =	ssyncset.done $0x0  }
0x3b: {  	[sflag:s0] =	ssyncadd.s32 $0xFFFFDC00  }
0x3c: {  	_ =	swait.ge [sflag:s28], $0x48  }
0x3d: {  	[sflag:s28] =	ssyncset.done $0x0  }
0x3e: {  	[sflag:s28] =	ssyncadd.s32 $0xFFFFFFB8  }
0x3f: {  	[spmem:s2] =	stream.indirect.scatter.add.f32 [tilespmem:s23], [sflag:$0x9], $0x80, s21, s22, $0xb8;
	[tilespmem:$0x1F580] =	vst v63  }
0x40: {  	_ =	swait.ge [sflag:s20], $0x2400  }
0x41: {  	s17 =	rddreg [dreg:$0xe]  }
0x42: {  	[sflag:s20] =	ssyncset.done $0x0;
	s14 =	sshrl.u32 s17, $0x3  }
0x43: {  	[sflag:s20] =	ssyncadd.s32 $0xFFFFDC00;
	s7 =	sadd.s32 s5, s14  }
0x44: {  	[tilespmem:s21], [sflag:$0x5] =	stream.linear.gather [hbm4b:s7+s3], $0x48, $0x38;
	[tilespmem:$0x1F580] =	vst v63  }
0x45: {  	s15 =	simm.s32 $0x120  }
0x46: {  	[tilespmem:s23], [sflag:$0x1] =	stream.indirect.gather [hbm4b:s4+s22], $0x80, s15, s22, $0xb8;
	[tilespmem:$0x1F580] =	vst v63  }
0x47: {  	_ =	swait.ge [sflag:s31], $0x2400  }
0x48: {  	[sflag:s31] =	ssyncset.done $0x0  }
0x49: {  	[sflag:s31] =	ssyncadd.s32 $0xFFFFDC00  }
0x4a: {  	_ =	swait.ge [sflag:s6], $0x48  }
0x4b: {  	[sflag:s6] =	ssyncset.done $0x0  }
0x4c: {  	[sflag:s6] =	ssyncadd.s32 $0xFFFFFFB8  }
0x4d: {  	[spmem:s2] =	stream.indirect.scatter.add.f32 [tilespmem:s25], [sflag:$0x9], $0x80, s24, s22, $0xb8;
	[tilespmem:$0x1F580] =	vst v63  }
0x4e: {  	_ =	swait.ge [sflag:s20], $0x2400  }
0x4f: {  	[sflag:s20] =	ssyncset.done $0x0  }
0x50: {  	s14 =	rddreg [dreg:$0xd];
	[sflag:s20] =	ssyncadd.s32 $0xFFFFDC00  }
0x51: {  	[tilespmem:s24], [sflag:$0x6] =	stream.linear.gather [hbm4b:s14+s3], $0x48, $0x38;
	[tilespmem:$0x1F580] =	vst v63  }
0x52: {  	s16 =	simm.s32 $0x168  }
0x53: {  	[tilespmem:s25], [sflag:$0x2] =	stream.indirect.gather [hbm4b:s4+s22], $0x80, s16, s22, $0xb8;
	[tilespmem:$0x1F580] =	vst v63  }
0x54: {  	_ =	swait.ge [sflag:s8], $0x2400  }
0x55: {  	[sflag:s8] =	ssyncset.done $0x0  }
0x56: {  	[sflag:s8] =	ssyncadd.s32 $0xFFFFDC00  }
0x57: {  	_ =	swait.ge [sflag:s10], $0x48  }
0x58: {  	[sflag:s10] =	ssyncset.done $0x0  }
0x59: {  	[sflag:s10] =	ssyncadd.s32 $0xFFFFFFB8  }
0x5a: {  	[spmem:s2] =	stream.indirect.scatter.add.f32 [tilespmem:s29], [sflag:$0x9], $0x80, s26, s22, $0xb8;
	[tilespmem:$0x1F580] =	vst v63  }
0x5b: {  	_ =	swait.ge [sflag:s20], $0x2400  }
0x5c: {  	[sflag:s20] =	ssyncset.done $0x0  }
0x5d: {  	s16 =	rddreg [dreg:$0xc];
	[sflag:s20] =	ssyncadd.s32 $0xFFFFDC00  }
0x5e: {  	[tilespmem:s26], [sflag:$0x7] =	stream.linear.gather [hbm4b:s16+s3], $0x48, $0x38;
	[tilespmem:$0x1F580] =	vst v63  }
0x5f: {  	s18 =	simm.s32 $0x1B0  }
0x60: {  	[tilespmem:s29], [sflag:$0x3] =	stream.indirect.gather [hbm4b:s4+s22], $0x80, s18, s22, $0xb8;
	[tilespmem:$0x1F580] =	vst v63  }
0x61: {  	_ =	swait.ge [sflag:s11], $0x2400  }
0x62: {  	[sflag:s11] =	ssyncset.done $0x0  }
0x63: {  	[sflag:s11] =	ssyncadd.s32 $0xFFFFDC00  }
0x64: {  	_ =	swait.ge [sflag:s12], $0x48  }
0x65: {  	[sflag:s12] =	ssyncset.done $0x0  }
0x66: {  	[sflag:s12] =	ssyncadd.s32 $0xFFFFFFB8  }
0x67: {  	[spmem:s2] =	stream.indirect.scatter.add.f32 [tilespmem:s1], [sflag:$0x9], $0x80, s30, s22, $0xb8;
	[tilespmem:$0x1F580] =	vst v63  }
0x68: {  	_ =	swait.ge [sflag:s20], $0x2400  }
0x69: {  	s13 =	simm.s32 $0x480;
	s7 =	sadd.s32 $0x120, s17;
	[sflag:s20] =	ssyncset.done $0x0  }
0x6a: {  	s17 =	simm.s32 $0x1F8;
	s15 =	rddreg [dreg:$0xb];
	[sflag:s20] =	ssyncadd.s32 $0xFFFFDC00  }
0x6b: {  	[tilespmem:s30], [sflag:$0x8] =	stream.linear.gather [hbm4b:s15+s3], $0x48, $0x38;
	[tilespmem:$0x1F580] =	vst v63  }
0x6c: {  	s14 =	sadd.s32 $0x24, s14;
	s16 =	sadd.s32 $0x24, s16;
	s15 =	sadd.s32 $0x24, s15  }
.LBB2_2:
0x6d: {  	[tilespmem:s1], [sflag:$0x4] =	stream.indirect.gather [hbm4b:s4+s22], $0x80, s17, s22, $0xb8;
	[tilespmem:$0x1F580] =	vst v63  }
0x6e: {  	s17 =	smov.u32 s13  }
0x6f: {  	p0 =	sne.s32 s13, $0x9480;
	s13 =	sadd.s32 $0x480, s13;
	_ =	swait.ge [sflag:s0], $0x2400  }
0x70: {  	[sflag:s0] =	ssyncset.done $0x0  }
0x71: {  	[sflag:s0] =	ssyncadd.s32 $0xFFFFDC00  }
0x72: {  	_ =	swait.ge [sflag:s28], $0x48  }
0x73: {  	[sflag:s28] =	ssyncset.done $0x0  }
0x74: {  	[sflag:s28] =	ssyncadd.s32 $0xFFFFFFB8  }
0x75: {  	[spmem:s2] =	stream.indirect.scatter.add.f32 [tilespmem:s23], [sflag:$0x9], $0x80, s21, s22, $0xb8;
	[tilespmem:$0x1F580] =	vst v63  }
0x76: {  	_ =	swait.ge [sflag:s20], $0x2400  }
0x77: {  	s18 =	sshrl.u32 s7, $0x3;
	[sflag:s20] =	ssyncset.done $0x0  }
0x78: {  	s18 =	sadd.s32 s5, s18;
	s17 =	sshra.s32 s17, $0x2;
	[sflag:s20] =	ssyncadd.s32 $0xFFFFDC00  }
0x79: {  	[tilespmem:s21], [sflag:$0x5] =	stream.linear.gather [hbm4b:s18+s3], $0x48, $0x38;
	[tilespmem:$0x1F580] =	vst v63  }
0x7a: {  	s18 =	sadd.s32 $0x120, s17  }
0x7b: {  	[tilespmem:s23], [sflag:$0x1] =	stream.indirect.gather [hbm4b:s4+s22], $0x80, s18, s22, $0xb8;
	[tilespmem:$0x1F580] =	vst v63  }
0x7c: {  	_ =	swait.ge [sflag:s31], $0x2400  }
0x7d: {  	[sflag:s31] =	ssyncset.done $0x0  }
0x7e: {  	[sflag:s31] =	ssyncadd.s32 $0xFFFFDC00  }
0x7f: {  	_ =	swait.ge [sflag:s6], $0x48  }
0x80: {  	[sflag:s6] =	ssyncset.done $0x0  }
0x81: {  	[sflag:s6] =	ssyncadd.s32 $0xFFFFFFB8  }
0x82: {  	[spmem:s2] =	stream.indirect.scatter.add.f32 [tilespmem:s25], [sflag:$0x9], $0x80, s24, s22, $0xb8;
	[tilespmem:$0x1F580] =	vst v63  }
0x83: {  	_ =	swait.ge [sflag:s20], $0x2400  }
0x84: {  	[sflag:s20] =	ssyncset.done $0x0  }
0x85: {  	[sflag:s20] =	ssyncadd.s32 $0xFFFFDC00  }
0x86: {  	[tilespmem:s24], [sflag:$0x6] =	stream.linear.gather [hbm4b:s14+s3], $0x48, $0x38;
	[tilespmem:$0x1F580] =	vst v63  }
0x87: {  	s18 =	sadd.s32 $0x168, s17  }
0x88: {  	[tilespmem:s25], [sflag:$0x2] =	stream.indirect.gather [hbm4b:s4+s22], $0x80, s18, s22, $0xb8;
	[tilespmem:$0x1F580] =	vst v63  }
0x89: {  	_ =	swait.ge [sflag:s8], $0x2400  }
0x8a: {  	[sflag:s8] =	ssyncset.done $0x0  }
0x8b: {  	[sflag:s8] =	ssyncadd.s32 $0xFFFFDC00  }
0x8c: {  	_ =	swait.ge [sflag:s10], $0x48  }
0x8d: {  	[sflag:s10] =	ssyncset.done $0x0  }
0x8e: {  	[sflag:s10] =	ssyncadd.s32 $0xFFFFFFB8  }
0x8f: {  	[spmem:s2] =	stream.indirect.scatter.add.f32 [tilespmem:s29], [sflag:$0x9], $0x80, s26, s22, $0xb8;
	[tilespmem:$0x1F580] =	vst v63  }
0x90: {  	_ =	swait.ge [sflag:s20], $0x2400  }
0x91: {  	[sflag:s20] =	ssyncset.done $0x0  }
0x92: {  	[sflag:s20] =	ssyncadd.s32 $0xFFFFDC00  }
0x93: {  	[tilespmem:s26], [sflag:$0x7] =	stream.linear.gather [hbm4b:s16+s3], $0x48, $0x38;
	[tilespmem:$0x1F580] =	vst v63  }
0x94: {  	s18 =	sadd.s32 $0x1B0, s17  }
0x95: {  	[tilespmem:s29], [sflag:$0x3] =	stream.indirect.gather [hbm4b:s4+s22], $0x80, s18, s22, $0xb8;
	[tilespmem:$0x1F580] =	vst v63  }
0x96: {  	_ =	swait.ge [sflag:s11], $0x2400  }
0x97: {  	[sflag:s11] =	ssyncset.done $0x0  }
0x98: {  	[sflag:s11] =	ssyncadd.s32 $0xFFFFDC00  }
0x99: {  	_ =	swait.ge [sflag:s12], $0x48  }
0x9a: {  	[sflag:s12] =	ssyncset.done $0x0  }
0x9b: {  	[sflag:s12] =	ssyncadd.s32 $0xFFFFFFB8  }
0x9c: {  	[spmem:s2] =	stream.indirect.scatter.add.f32 [tilespmem:s1], [sflag:$0x9], $0x80, s30, s22, $0xb8;
	[tilespmem:$0x1F580] =	vst v63  }
.Ltmp0:
0x9d: {  	_ =	swait.ge [sflag:s20], $0x2400;
	(pc) =	sbr.rel @p0 .LBB2_2-.Ltmp0, $4  }
0x9e: {  	[sflag:s20] =	ssyncset.done $0x0  }
0x9f: {  	s7 =	sadd.s32 $0x120, s7;
	s14 =	sadd.s32 $0x24, s14;
	[sflag:s20] =	ssyncadd.s32 $0xFFFFDC00  }
0xa0: {  	[tilespmem:s30], [sflag:$0x8] =	stream.linear.gather [hbm4b:s15+s3], $0x48, $0x38;
	[tilespmem:$0x1F580] =	vst v63  }
0xa1: {  	s17 =	sadd.s32 $0x1F8, s17;
	s16 =	sadd.s32 $0x24, s16;
	s15 =	sadd.s32 $0x24, s15  }
0xa2: {  	[tilespmem:s1], [sflag:$0x4] =	stream.indirect.gather [hbm4b:s4+s22], $0x80, s17, s22, $0xb8;
	[tilespmem:$0x1F580] =	vst v63  }
0xa3: {  	_ =	swait.ge [sflag:s0], $0x2400  }
0xa4: {  	[sflag:s0] =	ssyncset.done $0x0  }
0xa5: {  	[sflag:s0] =	ssyncadd.s32 $0xFFFFDC00  }
0xa6: {  	_ =	swait.ge [sflag:s28], $0x48  }
0xa7: {  	[sflag:s28] =	ssyncset.done $0x0  }
0xa8: {  	[sflag:s28] =	ssyncadd.s32 $0xFFFFFFB8  }
0xa9: {  	[spmem:s2] =	stream.indirect.scatter.add.f32 [tilespmem:s23], [sflag:$0x9], $0x80, s21, s22, $0xb8;
	[tilespmem:$0x1F580] =	vst v63  }
0xaa: {  	_ =	swait.ge [sflag:s20], $0x2400  }
0xab: {  	[sflag:s20] =	ssyncset.done $0x0  }
0xac: {  	[sflag:s20] =	ssyncadd.s32 $0xFFFFDC00  }
0xad: {  	_ =	swait.ge [sflag:s31], $0x2400  }
0xae: {  	[sflag:s31] =	ssyncset.done $0x0  }
0xaf: {  	[sflag:s31] =	ssyncadd.s32 $0xFFFFDC00  }
0xb0: {  	_ =	swait.ge [sflag:s6], $0x48  }
0xb1: {  	[sflag:s6] =	ssyncset.done $0x0  }
0xb2: {  	[sflag:s6] =	ssyncadd.s32 $0xFFFFFFB8  }
0xb3: {  	[spmem:s2] =	stream.indirect.scatter.add.f32 [tilespmem:s25], [sflag:$0x9], $0x80, s24, s22, $0xb8;
	[tilespmem:$0x1F580] =	vst v63  }
0xb4: {  	_ =	swait.ge [sflag:s20], $0x2400  }
0xb5: {  	[sflag:s20] =	ssyncset.done $0x0  }
0xb6: {  	[sflag:s20] =	ssyncadd.s32 $0xFFFFDC00  }
0xb7: {  	_ =	swait.ge [sflag:s8], $0x2400  }
0xb8: {  	[sflag:s8] =	ssyncset.done $0x0  }
0xb9: {  	[sflag:s8] =	ssyncadd.s32 $0xFFFFDC00  }
0xba: {  	_ =	swait.ge [sflag:s10], $0x48  }
0xbb: {  	[sflag:s10] =	ssyncset.done $0x0  }
0xbc: {  	[sflag:s10] =	ssyncadd.s32 $0xFFFFFFB8  }
0xbd: {  	[spmem:s2] =	stream.indirect.scatter.add.f32 [tilespmem:s29], [sflag:$0x9], $0x80, s26, s22, $0xb8;
	[tilespmem:$0x1F580] =	vst v63  }
0xbe: {  	_ =	swait.ge [sflag:s20], $0x2400  }
0xbf: {  	[sflag:s20] =	ssyncset.done $0x0  }
0xc0: {  	[sflag:s20] =	ssyncadd.s32 $0xFFFFDC00  }
0xc1: {  	_ =	swait.ge [sflag:s11], $0x2400  }
0xc2: {  	[sflag:s11] =	ssyncset.done $0x0  }
0xc3: {  	[sflag:s11] =	ssyncadd.s32 $0xFFFFDC00  }
0xc4: {  	_ =	swait.ge [sflag:s12], $0x48  }
0xc5: {  	[sflag:s12] =	ssyncset.done $0x0  }
0xc6: {  	[sflag:s12] =	ssyncadd.s32 $0xFFFFFFB8  }
0xc7: {  	[spmem:s2] =	stream.indirect.scatter.add.f32 [tilespmem:s1], [sflag:$0x9], $0x80, s30, s22, $0xb8;
	[tilespmem:$0x1F580] =	vst v63  }
0xc8: {  	_ =	swait.ge [sflag:s20], $0x2400  }
0xc9: {  	[sflag:s20] =	ssyncset.done $0x0  }
0xca: {  	[sflag:s20] =	ssyncadd.s32 $0xFFFFDC00  }
0xcb: {  	[bflag:$0x0] =	sbarrier.arrive $0xFFFF  }
0xcc: {  	s7 =	rddreg [dreg:$0x9]  }
0xcd: {  	s13 =	rddreg [dreg:$0xf]  }
0xce: {  	[hbm:s7], [sflag:s19] =	dma.local [spmem:s13], $0x2780  }
0xcf: {  	_ =	swait.ge [sflag:s20], $0x2780  }
0xd0: {  	s14 =	smov.u32 s19;
	s9 =	sadd.s32 $0x1, s9;
	s19 =	rddreg [dreg:$0xa]  }
0xd1: {  	p0 =	sne.s32 s9, s19  }
.Ltmp1:
0xd2: {  	_ = 	snop;
	(pc) =	sbr.rel @p0 .LBB2_1-.Ltmp1, $3  }
0xd3: {  	_ =	sdelay $0x1  }
0xd4: {  	[sflag:s20] =	ssyncset.done $0x0  }
0xd5: {  	[sflag:s20] =	ssyncadd.s32 $0xFFFFD880  }
0xd6: {  	_ =	sfence.sel $0x180000  }
0xd7: {  	[bflag:$0x0] =	sbarrier.arrive $0xFFFF  }
0xd8: {  	_ =	strace $0x9000004A  }
0xd9: {  	s0 =	stileid.u32;
	[bflag:$0x2] =	sbarrier.arrive $0xFFFF  }
0xda: {  	p0 =	sne.s32 s0, $0x0;
	s0 =	rddreg [dreg:$0x2]  }
0xdb: {  	s0 =	sadd.s32 @!p0 $0x100000, s0  }
0xdc: {  	[sflag:s0] =	ssyncadd.tile.s32 @!p0 $0x1;
	_ =	shalt  }
.Lfunc_end2:
_tile_overlayer_lowered:
.L_overlay_start_2:
0xdd: {  	(tag) =	ssettag $0x2  }
0xde: {  	s0 =	rddreg [dreg:$0x0];
	s2 =	stileid.u32  }
0xdf: {  	s1 =	rddreg [dreg:$0x1];
	p0 =	sne.s32 s2, $0x0  }
0xe0: {  	s3 =	rddreg [dreg:$0x2];
	[bflag:$0x3] =	sbarrier.arrive $0xFFFF;
	s2 =	simm.s32 @!p0 $0x1C09  }
0xe1: {  	[timem:s3], [sflag:s2] =	dma.local @!p0 [hbm:s0], s1  }
0xe2: {  	s0 =	simm.s32 @!p0 $0x9  }
0xe3: {  	_ =	swait.ge @!p0 [sflag:s0], s1  }
0xe4: {  	s1 =	ssub.s32 @!p0 $0x0, s1;
	[sflag:s0] =	ssyncset.done @!p0 $0x0  }
0xe5: {  	[sflag:s0] =	ssyncadd.s32 @!p0 s1  }
0xe6: {  	[bflag:$0x3] =	sbarrier.arrive $0xFFFF  }
0xe7: {  	_ =	shalt  }

// kernel: kernel.14.cloned.1.call-start
scs
__scs_entry_jumppad:
0x0: {  	(pc) =	sbr.rel $0x88, $3  }
0x1: {  	(tag) =	ssettag $0x0;
	lr =	simm.s32 $0x1  }
0x2: {  	[smem:$0x3F93] =	sst lr;
	_ =	strace $0xD0000000  }
0x3: {  	_ = 	snop  }
0x4: {  	_ = 	snop  }
0x5: {  	_ = 	snop  }
0x6: {  	_ = 	snop  }
0x7: {  	_ = 	snop  }
__scs_overlays_trampoline_lowered:
0x8: {  	[smem:$0x3FA2] =	sst s0  }
0x9: {  	[smem:$0x3FA3] =	sst s1  }
0xa: {  	[smem:$0x3FA4] =	sst s2  }
0xb: {  	[smem:$0x3FA5] =	sst s3  }
0xc: {  	[smem:$0x3FA6] =	sst s4  }
0xd: {  	[smem:$0x3FA7] =	sst s5  }
0xe: {  	[smem:$0x3FA8] =	sst s6  }
0xf: {  	[smem:$0x3FA9] =	sst s7  }
0x10: {  	[smem:$0x3FAA] =	sst s8  }
0x11: {  	[smem:$0x3FAB] =	sst s9;
	s0 =	simm.s32 @!p0 $0x0  }
0x12: {  	s1 =	sld [smem:$0x3F91];
	s0 =	simm.s32 @p0 $0x1  }
0x13: {  	[smem:$0x3FAC] =	sst s0;
	s0 =	simm.s32 @!p1 $0x0  }
0x14: {  	s2 =	sld [smem:$0x3F90];
	s0 =	simm.s32 @p1 $0x1  }
0x15: {  	[smem:$0x3FAD] =	sst s0;
	s0 =	simm.s32 @!p2 $0x0  }
0x16: {  	s3 =	sld [smem:$0x3FDB];
	s0 =	simm.s32 @p2 $0x1  }
0x17: {  	s4 =	simm.s32 $0x1BF5;
	[smem:$0x3FAF] =	sst s0  }
0x18: {  	s0 =	sld [smem:$0x3F92];
	_ =	swait.ge [sflag:s4], $0x0  }
0x19: {  	s7 =	sld [smem:$0x3F93]  }
0x1a: {  	s8 =	sadd.s32 $0xFFFFE003, lr  }
0x1b: {  	s9 =	sadd.s32 $0xFFFFFEF7, lr;
	s5 =	simm.s32 $0xFFFFFFFF;
	p2 =	slt.u32 s8, $0xFFFFF086  }
0x1c: {  	p1 =	slt.u32 s9, $0xF7A;
	s5 =	simm.s32 @!p2 $0x0  }
0x1d: {  	s5 =	simm.s32 @p1 $0x1;
	p0 =	seq.s32 s7, s2  }
0x1e: {  	s7 =	smul.u32 @!p0 $0xF7A, s2;
	p2 =	seq.s32 @!p0 s5, $0x0  }
0x1f: {  	s9 =	smul.u32 $0xF7A, s1;
	s8 =	simm.s32 @!p0 $0x1BF5;
	p2 =	por !p2, p0  }
0x20: {  	[sflag:s8] =	ssyncset.s32 @!p0 $0xFFFFF086;
	s6 =	sadd.s32 @!p0 s3, s7;
	s7 =	simm.s32 @!p0 $0x108  }
0x21: {  	s3 =	sadd.s32 s3, s9;
	s6 =	sadd.s32 @!p0 $0x88, s6;
	s7 =	simm.s32 @p2 $0x1082  }
0x22: {  	[simem:s7], [sflag:s8] =	dma.local @!p0 [hbm:s6], $0xF7A  }
0x23: {  	s9 =	sor.u32 $0xD0000000, s2;
	s6 =	simm.s32 $0x108;
	_ =	swait.ge @!p0 [sflag:s8], $0x0  }
0x24: {  	s3 =	sadd.s32 $0x88, s3;
	s6 =	simm.s32 @!p1 $0x1082;
	[sflag:s4] =	ssyncset.s32 $0xFFFFF086  }
0x25: {  	[simem:s6], [sflag:s4] =	dma.local [hbm:s3], $0xF7A  }
0x26: {  	[smem:$0x3F93] =	sst s1;
	(tag) =	ssettag s2;
	_ =	strace s9  }
0x27: {  	s1 =	sld [smem:$0x3FA3]  }
0x28: {  	s2 =	sld [smem:$0x3FA4]  }
0x29: {  	s4 =	sld [smem:$0x3FA6]  }
0x2a: {  	p0 =	seq.s32 s5, $0x0;
	s5 =	sld [smem:$0x3FA7]  }
0x2b: {  	s6 =	sld [smem:$0x3FA8]  }
0x2c: {  	s7 =	sld [smem:$0x3FA9]  }
0x2d: {  	s3 =	simm.s32 $0x108;
	s8 =	sld [smem:$0x3FAA]  }
0x2e: {  	s3 =	simm.s32 @!p0 $0x1082;
	s9 =	sld [smem:$0x3FAB]  }
0x2f: {  	lr =	sadd.s32 s0, s3;
	s0 =	sld [smem:$0x3FA2]  }
0x30: {  	s3 =	sld [smem:$0x3FA5]  }
0x31: {  	[smem:$0x3FAE] =	sst s10  }
0x32: {  	s10 =	sld [smem:$0x3FAC];
	_ =	sdelay $0x3  }
0x33: {  	p0 =	seq.s32 s10, $0x1;
	s10 =	sld [smem:$0x3FAE];
	_ =	sdelay $0x3  }
0x34: {  	[smem:$0x3FAE] =	sst s10  }
0x35: {  	s10 =	sld [smem:$0x3FAD];
	_ =	sdelay $0x3  }
0x36: {  	p1 =	seq.s32 s10, $0x1;
	s10 =	sld [smem:$0x3FAE];
	_ =	sdelay $0x3  }
0x37: {  	[smem:$0x3FAE] =	sst s10  }
0x38: {  	s10 =	sld [smem:$0x3FAF]  }
0x39: {  	_ = 	snop;
	(pc) =	sbr.ind lr, $3  }
0x3a: {  	_ = 	snop  }
0x3b: {  	_ = 	snop  }
0x3c: {  	p2 =	seq.s32 s10, $0x1;
	s10 =	sld [smem:$0x3FAE]  }
0x3d: {  	_ =	shalt  }
0x3e: {  	_ =	shalt  }
0x3f: {  	_ =	shalt  }
0x40: {  	_ =	shalt  }
0x41: {  	_ =	shalt  }
0x42: {  	_ =	shalt  }
0x43: {  	_ =	shalt  }
0x44: {  	_ =	shalt  }
0x45: {  	_ =	shalt  }
0x46: {  	_ =	shalt  }
0x47: {  	_ =	shalt  }
0x48: {  	_ =	shalt  }
0x49: {  	_ =	shalt  }
0x4a: {  	_ =	shalt  }
0x4b: {  	_ =	shalt  }
0x4c: {  	_ =	shalt  }
0x4d: {  	_ =	shalt  }
0x4e: {  	_ =	shalt  }
0x4f: {  	_ =	shalt  }
0x50: {  	_ =	shalt  }
0x51: {  	_ =	shalt  }
0x52: {  	_ =	shalt  }
0x53: {  	_ =	shalt  }
0x54: {  	_ =	shalt  }
0x55: {  	_ =	shalt  }
0x56: {  	_ =	shalt  }
0x57: {  	_ =	shalt  }
0x58: {  	_ =	shalt  }
0x59: {  	_ =	shalt  }
0x5a: {  	_ =	shalt  }
0x5b: {  	_ =	shalt  }
0x5c: {  	_ =	shalt  }
0x5d: {  	_ =	shalt  }
0x5e: {  	_ =	shalt  }
0x5f: {  	_ =	shalt  }
0x60: {  	_ =	shalt  }
0x61: {  	_ =	shalt  }
0x62: {  	_ =	shalt  }
0x63: {  	_ =	shalt  }
0x64: {  	_ =	shalt  }
0x65: {  	_ =	shalt  }
0x66: {  	_ =	shalt  }
0x67: {  	_ =	shalt  }
0x68: {  	_ =	shalt  }
0x69: {  	_ =	shalt  }
0x6a: {  	_ =	shalt  }
0x6b: {  	_ =	shalt  }
0x6c: {  	_ =	shalt  }
0x6d: {  	_ =	shalt  }
0x6e: {  	_ =	shalt  }
0x6f: {  	_ =	shalt  }
0x70: {  	_ =	shalt  }
0x71: {  	_ =	shalt  }
0x72: {  	_ =	shalt  }
0x73: {  	_ =	shalt  }
0x74: {  	_ =	shalt  }
0x75: {  	_ =	shalt  }
0x76: {  	_ =	shalt  }
0x77: {  	_ =	shalt  }
0x78: {  	_ =	shalt  }
0x79: {  	_ =	shalt  }
0x7a: {  	_ =	shalt  }
0x7b: {  	_ =	shalt  }
0x7c: {  	_ =	shalt  }
0x7d: {  	_ =	shalt  }
0x7e: {  	_ =	shalt  }
0x7f: {  	_ =	shalt  }
0x80: {  	_ =	shalt  }
0x81: {  	_ =	shalt  }
0x82: {  	_ =	shalt  }
0x83: {  	_ =	shalt  }
0x84: {  	_ =	shalt  }
0x85: {  	_ =	shalt  }
0x86: {  	_ =	shalt  }
0x87: {  	_ =	shalt  }
.Lfunc_end0:
.L_simem_size_0:
called_computation.2_lowered:
.L_overlay_start_0:
0x88: {  	s2 =	sld [smem:$0x3FD9]  }
0x89: {  	s3 =	sld [smem:$0x3FFE];
	_ =	sdelay $0x1  }
0x8a: {  	s1 =	srdreg.scid  }
0x8b: {  	s0 =	sand.u32 $0x1, s1  }
0x8c: {  	s16 =	sshll.u32 s0, $0xA;
	s2 =	sadd.s32 s3, s2  }
0x8d: {  	s2 =	sadd.s32 s2, s16  }
0x8e: {  	[smem:$0x3FBA] =	sst s2  }
0x8f: {  	_ = 	snop  }
0x90: {  	(tm) =	ssettm $0x1  }
0x91: {  	s17 =	sld [smem:$0x3FFB];
	_ =	sdelay $0x3  }
0x92: {  	_ =	strace s17  }
0x93: {  	s2 =	sld [smem:$0x3FFC];
	_ =	sdelay $0x3  }
0x94: {  	_ =	strace s2  }
0x95: {  	s2 =	sld [smem:$0x3FFD];
	_ =	sdelay $0x3  }
0x96: {  	_ =	strace s2  }
0x97: {  	_ =	strace $0x8FFFFFFF  }
0x98: {  	s18 =	sld [smem:$0x3FDB];
	_ =	sdelay $0x1  }
0x99: {  	s19 =	simm.s32 $_scs_section_size  }
0x9a: {  	s4 =	simm.s32 $_size__tile_overlayer_lowered;
	s5 =	simm.s32 $_tile_overlayer_lowered  }
0x9b: {  	s22 =	simm.s32 $0x1BFF;
	s21 =	sshll.u32 s5, $0x1;
	s2 =	sadd.s32 s19, s18  }
0x9c: {  	s6 =	simm.s32 $0x0;
	s20 =	sshll.u32 s4, $0x1;
	s4 =	sadd.s32 s21, s2  }
0x9d: {  	[timem:s6], [sflag:s22] =	dma.local [hbm:s4], s20  }
0x9e: {  	_ =	swait.ge [sflag:s22], s20  }
0x9f: {  	s3 =	ssub.s32 $0x0, s20;
	[sflag:s22] =	ssyncset.done $0x0  }
0xa0: {  	[sflag:s22] =	ssyncadd.s32 s3;
	_ =	sdelay $0x1  }
0xa1: {  	s23 =	simm.s32 $0x1B8B  }
0xa2: {  	_ =	swait.ge [sflag:s23], $0x1  }
0xa3: {  	[sflag:s23] =	ssyncset.done $0x0  }
0xa4: {  	s25 =	simm.s32 $0x1B8E;
	s24 =	sld [smem:$0x3FFE];
	[sflag:s23] =	ssyncadd.s32 $0xFFFFFFFF  }
0xa5: {  	s26 =	simm.s32 $execute0_lowered;
	[smem:$0x3FD2] =	sst s25  }
0xa6: {  	s4 =	sshll.u32 s26, $0x1;
	_ =	strace $0x8000004C;
	[dreg:$0x1] =	wrdreg $0xFFFFFFFF  }
0xa7: {  	s28 =	simm.s32 $_size_execute0_lowered;
	s2 =	sadd.s32 s2, s4;
	[dreg:$0x0] =	wrdreg $0x0  }
0xa8: {  	s4 =	sshll.u32 s28, $0x1;
	[dreg:$0x2] =	wrdreg s2  }
0xa9: {  	[dreg:$0x3] =	wrdreg s4  }
0xaa: {  	[dreg:$0x4] =	wrdreg $0xC0  }
0xab: {  	_ =	task [dreg:s6], $0x5FFFF  }
0xac: {  	[dreg:$0x1] =	wrdreg $0xFFFFFFFF  }
0xad: {  	[dreg:$0x0] =	wrdreg $0x60  }
0xae: {  	[dreg:$0x2] =	wrdreg s24  }
0xaf: {  	[dreg:$0x3] =	wrdreg $0xB9800  }
0xb0: {  	[dreg:$0x4] =	wrdreg $0x9  }
0xb1: {  	_ =	task.clear_ibuf [dreg:s6], $0x5FFFF;
	_ =	strace $0x9000004C  }
0xb2: {  	s29 =	simm.s32 $0x9;
	_ =	strace $0x8000004E  }
0xb3: {  	_ =	swait.ge [sflag:s29], $0x1  }
0xb4: {  	[sflag:s29] =	ssyncadd.s32 $0xFFFFFFFF  }
0xb5: {  	_ =	strace $0x9000004E  }
0xb6: {  	_ =	sfence  }
0xb7: {  	s30 =	sld [smem:$0x0];
	_ =	sdelay $0x2  }
0xb8: {  	s31 =	sshll.u32 s1, $0xD;
	s1 =	sshrl.u32 s1, $0x2  }
0xb9: {  	s3 =	sand.u32 $0x4000, s31;
	s1 =	sadd.s32 s1, s30  }
0xba: {  	s0 =	sor.u32 s3, s0;
	s1 =	sshll.u32 s1, $0x11  }
0xbb: {  	s0 =	sor.u32 s1, s0  }
0xbc: {  	s0 =	sadd.s32 $0x8F2B, s0  }
0xbd: {  	[sflag:s0] =	ssyncadd.remote.s32 $0x1  }
0xbe: {  	_ =	sfence.sel $0xFFFF  }
0xbf: {  	[dreg:$0x0] =	wrdreg $0xFFFFFFFF;
	(pc) =	sbr.abs _section_cstart, $3  }
0xc0: {  	[dreg:$0x1] =	wrdreg $0xFFFFFFFF  }
0xc1: {  	_ =	task.clear_ibuf [dreg:s6], $0x2FFFF;
	_ =	strace $0x9FFFFFFF  }
0xc2: {  	(tm) =	ssettm $0x7FFFFFFF  }
0xc3: {  	_ =	shalt  }
tec
execute0_lowered:
.L_overlay_start_1:
0x0: {  	(tag) =	ssettag $0x1  }
0x1: {  	s0 =	srdreg.scid;
	s1 =	rddreg [dreg:$0x0]  }
0x2: {  	s13 =	stileid.u32;
	s2 =	rddreg [dreg:$0x1]  }
0x3: {  	s29 =	simm.s32 $0x7180;
	s30 =	simm.s32 $0x2900;
	s7 =	smul.u32 $0x13C00, s13  }
0x4: {  	s28 =	simm.s32 $0x5;
	s31 =	simm.s32 $0x2;
	s14 =	smul.u32 $0x4F000, s13  }
0x5: {  	s0 =	sand.u32 $0x1, s0;
	s5 =	sadd.s32 $0x3400, s1;
	s19 =	smul.u32 $0x2760, s13  }
0x6: {  	s16 =	sshll.u32 s13, $0x6;
	s3 =	sshll.u32 s0, $0x4;
	s9 =	smul.u32 $0x13C000, s0  }
0x7: {  	s12 =	ssub.s32 $0x2, s0;
	s0 =	smul.u32 $0x27600, s0;
	s4 =	sor.u32 s13, s3  }
0x8: {  	s3 =	simm.s32 $0x0;
	s11 =	sshrl.u32 s7, $0x3;
	s15 =	sshrl.u32 s12, $0x1  }
0x9: {  	s6 =	smul.u32 $0x2760, s4;
	[smem:$0x7FF] =	sst s3;
	s4 =	sadd.s32 $0x17000, s1  }
0xa: {  	s7 =	sadd.s32 s7, s9;
	s11 =	sadd.s32 s11, s1;
	s9 =	sshrl.u32 s14, $0x2  }
0xb: {  	s14 =	sor.u32 $0x1C09, s16;
	s0 =	sadd.s32 s19, s0;
	_ =	strace $0x8000004D  }
0xc: {  	s7 =	sshrl.u32 s7, $0x3;
	s9 =	sadd.s32 s9, s2;
	s11 =	sadd.s32 $0x52400, s11  }
0xd: {  	s22 =	sadd.s32 $0x1F8, s0;
	s23 =	sadd.s32 $0x1B0, s0;
	s24 =	sadd.s32 $0x168, s0  }
0xe: {  	s0 =	sadd.s32 $0x120, s0;
	s8 =	sshrl.u32 s6, $0x3;
	[dreg:$0x3] =	wrdreg s11  }
0xf: {  	s18 =	sadd.s32 $0x48, s6;
	s6 =	sadd.s32 $0xD8, s6;
	s26 =	sshrl.u32 s24, $0x3  }
0x10: {  	[dreg:$0xe] =	wrdreg s0;
	s13 =	sshrl.u32 s9, $0x3;
	s24 =	simm.s32 $0x2800  }
0x11: {  	s10 =	sadd.s32 s8, s1;
	s17 =	sadd.s32 s5, s8;
	[dreg:$0xf] =	wrdreg s13  }
0x12: {  	s8 =	sshrl.u32 s18, $0x3;
	s10 =	sadd.s32 $0xD200, s10;
	[dreg:$0x5] =	wrdreg s17  }
0x13: {  	s0 =	simm.s32 $0x1;
	s8 =	sadd.s32 s5, s8;
	[dreg:$0x4] =	wrdreg s10  }
0x14: {  	s6 =	sshrl.u32 s6, $0x3;
	s20 =	sadd.s32 $0x12, s17;
	[dreg:$0x6] =	wrdreg s8  }
0x15: {  	s1 =	sadd.s32 s7, s1;
	s6 =	sadd.s32 s5, s6;
	[dreg:$0x7] =	wrdreg s20  }
0x16: {  	s7 =	ssub.s32 s12, s15;
	s1 =	sadd.s32 $0x79C00, s1;
	[dreg:$0x8] =	wrdreg s6  }
0x17: {  	s11 =	simm.s32 $0x4;
	s21 =	smax.u32 s7, $0x1;
	[dreg:$0x9] =	wrdreg s1  }
0x18: {  	s9 =	simm.s32 $0x0;
	s12 =	simm.s32 $0x8;
	[dreg:$0xa] =	wrdreg s21  }
0x19: {  	s1 =	sshrl.u32 s22, $0x3;
	s6 =	sshrl.u32 s23, $0x3;
	s20 =	simm.s32 $0x9  }
0x1a: {  	s21 =	simm.s32 $0x2780;
	s22 =	simm.s32 $0x48;
	s23 =	simm.s32 $0x2980  }
0x1b: {  	s8 =	simm.s32 $0x3;
	s10 =	simm.s32 $0x7;
	s1 =	sadd.s32 s1, s5  }
0x1c: {  	s25 =	sadd.s32 s6, s5;
	s6 =	simm.s32 $0x6;
	[dreg:$0xb] =	wrdreg s1  }
0x1d: {  	[dreg:$0xc] =	wrdreg s25;
	s1 =	sadd.s32 s26, s5;
	s25 =	simm.s32 $0x4D80  }
0x1e: {  	s26 =	simm.s32 $0x2880;
	[dreg:$0xd] =	wrdreg s1;
	s1 =	simm.s32 $0x9580  }
.LBB2_1:
0x1f: {  	s7 =	rddreg [dreg:$0x3]  }
0x20: {  	[spmem:s13], [sflag:s14] =	dma.local [hbm:s7], $0x2780  }
0x21: {  	_ =	swait.ge [sflag:s20], $0x2780  }
0x22: {  	[sflag:s20] =	ssyncset.done $0x0  }
0x23: {  	s13 =	rddreg [dreg:$0x4];
	[sflag:s20] =	ssyncadd.s32 $0xFFFFD880  }
0x24: {  	[tilespmem:s3], [sflag:$0x9] =	stream.linear.gather [hbm4b:s13+s3], $0x2760, $0x38;
	[tilespmem:$0x1F580] =	vst v63  }
0x25: {  	_ =	swait.ge [sflag:s20], $0x2760  }
0x26: {  	[sflag:s20] =	ssyncset.done $0x0  }
0x27: {  	[sflag:s20] =	ssyncadd.s32 $0xFFFFD8A0  }
0x28: {  	[bflag:$0x0] =	sbarrier.arrive $0xFFFF  }
0x29: {  	s19 =	smov.u32 s14;
	s14 =	rddreg [dreg:$0x5]  }
0x2a: {  	[tilespmem:s21], [sflag:$0x5] =	stream.linear.gather [hbm4b:s14+s3], $0x48, $0x38;
	[tilespmem:$0x1F580] =	vst v63  }
0x2b: {  	_ = 	snop  }
0x2c: {  	[tilespmem:s23], [sflag:$0x1] =	stream.indirect.gather [hbm4b:s4+s22], $0x80, s3, s22, $0xb8;
	[tilespmem:$0x1F580] =	vst v63  }
0x2d: {  	s15 =	rddreg [dreg:$0x6]  }
0x2e: {  	[tilespmem:s24], [sflag:$0x6] =	stream.linear.gather [hbm4b:s15+s3], $0x48, $0x38;
	[tilespmem:$0x1F580] =	vst v63  }
0x2f: {  	_ = 	snop  }
0x30: {  	[tilespmem:s25], [sflag:$0x2] =	stream.indirect.gather [hbm4b:s4+s22], $0x80, s22, s22, $0xb8;
	[tilespmem:$0x1F580] =	vst v63  }
0x31: {  	s16 =	rddreg [dreg:$0x7]  }
0x32: {  	[tilespmem:s26], [sflag:$0x7] =	stream.linear.gather [hbm4b:s16+s3], $0x48, $0x38;
	[tilespmem:$0x1F580] =	vst v63  }
0x33: {  	s17 =	simm.s32 $0x90  }
0x34: {  	[tilespmem:s29], [sflag:$0x3] =	stream.indirect.gather [hbm4b:s4+s22], $0x80, s17, s22, $0xb8;
	[tilespmem:$0x1F580] =	vst v63  }
0x35: {  	s18 =	rddreg [dreg:$0x8]  }
0x36: {  	[tilespmem:s30], [sflag:$0x8] =	stream.linear.gather [hbm4b:s18+s3], $0x48, $0x38;
	[tilespmem:$0x1F580] =	vst v63  }
0x37: {  	s13 =	simm.s32 $0xD8  }
0x38: {  	[tilespmem:s1], [sflag:$0x4] =	stream.indirect.gather [hbm4b:s4+s22], $0x80, s13, s22, $0xb8;
	[tilespmem:$0x1F580] =	vst v63  }
0x39: {  	_ =	swait.ge [sflag:s0], $0x2400  }
0x3a: {  	[sflag:s0] =	ssyncset.done $0x0  }
0x3b: {  	[sflag:s0] =	ssyncadd.s32 $0xFFFFDC00  }
0x3c: {  	_ =	swait.ge [sflag:s28], $0x48  }
0x3d: {  	[sflag:s28] =	ssyncset.done $0x0  }
0x3e: {  	[sflag:s28] =	ssyncadd.s32 $0xFFFFFFB8  }
0x3f: {  	[spmem:s2] =	stream.indirect.scatter.add.f32 [tilespmem:s23], [sflag:$0x9], $0x80, s21, s22, $0xb8;
	[tilespmem:$0x1F580] =	vst v63  }
0x40: {  	_ =	swait.ge [sflag:s20], $0x2400  }
0x41: {  	s17 =	rddreg [dreg:$0xe]  }
0x42: {  	[sflag:s20] =	ssyncset.done $0x0;
	s14 =	sshrl.u32 s17, $0x3  }
0x43: {  	[sflag:s20] =	ssyncadd.s32 $0xFFFFDC00;
	s7 =	sadd.s32 s5, s14  }
0x44: {  	[tilespmem:s21], [sflag:$0x5] =	stream.linear.gather [hbm4b:s7+s3], $0x48, $0x38;
	[tilespmem:$0x1F580] =	vst v63  }
0x45: {  	s15 =	simm.s32 $0x120  }
0x46: {  	[tilespmem:s23], [sflag:$0x1] =	stream.indirect.gather [hbm4b:s4+s22], $0x80, s15, s22, $0xb8;
	[tilespmem:$0x1F580] =	vst v63  }
0x47: {  	_ =	swait.ge [sflag:s31], $0x2400  }
0x48: {  	[sflag:s31] =	ssyncset.done $0x0  }
0x49: {  	[sflag:s31] =	ssyncadd.s32 $0xFFFFDC00  }
0x4a: {  	_ =	swait.ge [sflag:s6], $0x48  }
0x4b: {  	[sflag:s6] =	ssyncset.done $0x0  }
0x4c: {  	[sflag:s6] =	ssyncadd.s32 $0xFFFFFFB8  }
0x4d: {  	[spmem:s2] =	stream.indirect.scatter.add.f32 [tilespmem:s25], [sflag:$0x9], $0x80, s24, s22, $0xb8;
	[tilespmem:$0x1F580] =	vst v63  }
0x4e: {  	_ =	swait.ge [sflag:s20], $0x2400  }
0x4f: {  	[sflag:s20] =	ssyncset.done $0x0  }
0x50: {  	s14 =	rddreg [dreg:$0xd];
	[sflag:s20] =	ssyncadd.s32 $0xFFFFDC00  }
0x51: {  	[tilespmem:s24], [sflag:$0x6] =	stream.linear.gather [hbm4b:s14+s3], $0x48, $0x38;
	[tilespmem:$0x1F580] =	vst v63  }
0x52: {  	s16 =	simm.s32 $0x168  }
0x53: {  	[tilespmem:s25], [sflag:$0x2] =	stream.indirect.gather [hbm4b:s4+s22], $0x80, s16, s22, $0xb8;
	[tilespmem:$0x1F580] =	vst v63  }
0x54: {  	_ =	swait.ge [sflag:s8], $0x2400  }
0x55: {  	[sflag:s8] =	ssyncset.done $0x0  }
0x56: {  	[sflag:s8] =	ssyncadd.s32 $0xFFFFDC00  }
0x57: {  	_ =	swait.ge [sflag:s10], $0x48  }
0x58: {  	[sflag:s10] =	ssyncset.done $0x0  }
0x59: {  	[sflag:s10] =	ssyncadd.s32 $0xFFFFFFB8  }
0x5a: {  	[spmem:s2] =	stream.indirect.scatter.add.f32 [tilespmem:s29], [sflag:$0x9], $0x80, s26, s22, $0xb8;
	[tilespmem:$0x1F580] =	vst v63  }
0x5b: {  	_ =	swait.ge [sflag:s20], $0x2400  }
0x5c: {  	[sflag:s20] =	ssyncset.done $0x0  }
0x5d: {  	s16 =	rddreg [dreg:$0xc];
	[sflag:s20] =	ssyncadd.s32 $0xFFFFDC00  }
0x5e: {  	[tilespmem:s26], [sflag:$0x7] =	stream.linear.gather [hbm4b:s16+s3], $0x48, $0x38;
	[tilespmem:$0x1F580] =	vst v63  }
0x5f: {  	s18 =	simm.s32 $0x1B0  }
0x60: {  	[tilespmem:s29], [sflag:$0x3] =	stream.indirect.gather [hbm4b:s4+s22], $0x80, s18, s22, $0xb8;
	[tilespmem:$0x1F580] =	vst v63  }
0x61: {  	_ =	swait.ge [sflag:s11], $0x2400  }
0x62: {  	[sflag:s11] =	ssyncset.done $0x0  }
0x63: {  	[sflag:s11] =	ssyncadd.s32 $0xFFFFDC00  }
0x64: {  	_ =	swait.ge [sflag:s12], $0x48  }
0x65: {  	[sflag:s12] =	ssyncset.done $0x0  }
0x66: {  	[sflag:s12] =	ssyncadd.s32 $0xFFFFFFB8  }
0x67: {  	[spmem:s2] =	stream.indirect.scatter.add.f32 [tilespmem:s1], [sflag:$0x9], $0x80, s30, s22, $0xb8;
	[tilespmem:$0x1F580] =	vst v63  }
0x68: {  	_ =	swait.ge [sflag:s20], $0x2400  }
0x69: {  	s13 =	simm.s32 $0x480;
	s7 =	sadd.s32 $0x120, s17;
	[sflag:s20] =	ssyncset.done $0x0  }
0x6a: {  	s17 =	simm.s32 $0x1F8;
	s15 =	rddreg [dreg:$0xb];
	[sflag:s20] =	ssyncadd.s32 $0xFFFFDC00  }
0x6b: {  	[tilespmem:s30], [sflag:$0x8] =	stream.linear.gather [hbm4b:s15+s3], $0x48, $0x38;
	[tilespmem:$0x1F580] =	vst v63  }
0x6c: {  	s14 =	sadd.s32 $0x24, s14;
	s16 =	sadd.s32 $0x24, s16;
	s15 =	sadd.s32 $0x24, s15  }
.LBB2_2:
0x6d: {  	[tilespmem:s1], [sflag:$0x4] =	stream.indirect.gather [hbm4b:s4+s22], $0x80, s17, s22, $0xb8;
	[tilespmem:$0x1F580] =	vst v63  }
0x6e: {  	s17 =	smov.u32 s13  }
0x6f: {  	p0 =	sne.s32 s13, $0x9480;
	s13 =	sadd.s32 $0x480, s13;
	_ =	swait.ge [sflag:s0], $0x2400  }
0x70: {  	[sflag:s0] =	ssyncset.done $0x0  }
0x71: {  	[sflag:s0] =	ssyncadd.s32 $0xFFFFDC00  }
0x72: {  	_ =	swait.ge [sflag:s28], $0x48  }
0x73: {  	[sflag:s28] =	ssyncset.done $0x0  }
0x74: {  	[sflag:s28] =	ssyncadd.s32 $0xFFFFFFB8  }
0x75: {  	[spmem:s2] =	stream.indirect.scatter.add.f32 [tilespmem:s23], [sflag:$0x9], $0x80, s21, s22, $0xb8;
	[tilespmem:$0x1F580] =	vst v63  }
0x76: {  	_ =	swait.ge [sflag:s20], $0x2400  }
0x77: {  	s18 =	sshrl.u32 s7, $0x3;
	[sflag:s20] =	ssyncset.done $0x0  }
0x78: {  	s18 =	sadd.s32 s5, s18;
	s17 =	sshra.s32 s17, $0x2;
	[sflag:s20] =	ssyncadd.s32 $0xFFFFDC00  }
0x79: {  	[tilespmem:s21], [sflag:$0x5] =	stream.linear.gather [hbm4b:s18+s3], $0x48, $0x38;
	[tilespmem:$0x1F580] =	vst v63  }
0x7a: {  	s18 =	sadd.s32 $0x120, s17  }
0x7b: {  	[tilespmem:s23], [sflag:$0x1] =	stream.indirect.gather [hbm4b:s4+s22], $0x80, s18, s22, $0xb8;
	[tilespmem:$0x1F580] =	vst v63  }
0x7c: {  	_ =	swait.ge [sflag:s31], $0x2400  }
0x7d: {  	[sflag:s31] =	ssyncset.done $0x0  }
0x7e: {  	[sflag:s31] =	ssyncadd.s32 $0xFFFFDC00  }
0x7f: {  	_ =	swait.ge [sflag:s6], $0x48  }
0x80: {  	[sflag:s6] =	ssyncset.done $0x0  }
0x81: {  	[sflag:s6] =	ssyncadd.s32 $0xFFFFFFB8  }
0x82: {  	[spmem:s2] =	stream.indirect.scatter.add.f32 [tilespmem:s25], [sflag:$0x9], $0x80, s24, s22, $0xb8;
	[tilespmem:$0x1F580] =	vst v63  }
0x83: {  	_ =	swait.ge [sflag:s20], $0x2400  }
0x84: {  	[sflag:s20] =	ssyncset.done $0x0  }
0x85: {  	[sflag:s20] =	ssyncadd.s32 $0xFFFFDC00  }
0x86: {  	[tilespmem:s24], [sflag:$0x6] =	stream.linear.gather [hbm4b:s14+s3], $0x48, $0x38;
	[tilespmem:$0x1F580] =	vst v63  }
0x87: {  	s18 =	sadd.s32 $0x168, s17  }
0x88: {  	[tilespmem:s25], [sflag:$0x2] =	stream.indirect.gather [hbm4b:s4+s22], $0x80, s18, s22, $0xb8;
	[tilespmem:$0x1F580] =	vst v63  }
0x89: {  	_ =	swait.ge [sflag:s8], $0x2400  }
0x8a: {  	[sflag:s8] =	ssyncset.done $0x0  }
0x8b: {  	[sflag:s8] =	ssyncadd.s32 $0xFFFFDC00  }
0x8c: {  	_ =	swait.ge [sflag:s10], $0x48  }
0x8d: {  	[sflag:s10] =	ssyncset.done $0x0  }
0x8e: {  	[sflag:s10] =	ssyncadd.s32 $0xFFFFFFB8  }
0x8f: {  	[spmem:s2] =	stream.indirect.scatter.add.f32 [tilespmem:s29], [sflag:$0x9], $0x80, s26, s22, $0xb8;
	[tilespmem:$0x1F580] =	vst v63  }
0x90: {  	_ =	swait.ge [sflag:s20], $0x2400  }
0x91: {  	[sflag:s20] =	ssyncset.done $0x0  }
0x92: {  	[sflag:s20] =	ssyncadd.s32 $0xFFFFDC00  }
0x93: {  	[tilespmem:s26], [sflag:$0x7] =	stream.linear.gather [hbm4b:s16+s3], $0x48, $0x38;
	[tilespmem:$0x1F580] =	vst v63  }
0x94: {  	s18 =	sadd.s32 $0x1B0, s17  }
0x95: {  	[tilespmem:s29], [sflag:$0x3] =	stream.indirect.gather [hbm4b:s4+s22], $0x80, s18, s22, $0xb8;
	[tilespmem:$0x1F580] =	vst v63  }
0x96: {  	_ =	swait.ge [sflag:s11], $0x2400  }
0x97: {  	[sflag:s11] =	ssyncset.done $0x0  }
0x98: {  	[sflag:s11] =	ssyncadd.s32 $0xFFFFDC00  }
0x99: {  	_ =	swait.ge [sflag:s12], $0x48  }
0x9a: {  	[sflag:s12] =	ssyncset.done $0x0  }
0x9b: {  	[sflag:s12] =	ssyncadd.s32 $0xFFFFFFB8  }
0x9c: {  	[spmem:s2] =	stream.indirect.scatter.add.f32 [tilespmem:s1], [sflag:$0x9], $0x80, s30, s22, $0xb8;
	[tilespmem:$0x1F580] =	vst v63  }
.Ltmp0:
0x9d: {  	_ =	swait.ge [sflag:s20], $0x2400;
	(pc) =	sbr.rel @p0 .LBB2_2-.Ltmp0, $4  }
0x9e: {  	[sflag:s20] =	ssyncset.done $0x0  }
0x9f: {  	s7 =	sadd.s32 $0x120, s7;
	s14 =	sadd.s32 $0x24, s14;
	[sflag:s20] =	ssyncadd.s32 $0xFFFFDC00  }
0xa0: {  	[tilespmem:s30], [sflag:$0x8] =	stream.linear.gather [hbm4b:s15+s3], $0x48, $0x38;
	[tilespmem:$0x1F580] =	vst v63  }
0xa1: {  	s17 =	sadd.s32 $0x1F8, s17;
	s16 =	sadd.s32 $0x24, s16;
	s15 =	sadd.s32 $0x24, s15  }
0xa2: {  	[tilespmem:s1], [sflag:$0x4] =	stream.indirect.gather [hbm4b:s4+s22], $0x80, s17, s22, $0xb8;
	[tilespmem:$0x1F580] =	vst v63  }
0xa3: {  	_ =	swait.ge [sflag:s0], $0x2400  }
0xa4: {  	[sflag:s0] =	ssyncset.done $0x0  }
0xa5: {  	[sflag:s0] =	ssyncadd.s32 $0xFFFFDC00  }
0xa6: {  	_ =	swait.ge [sflag:s28], $0x48  }
0xa7: {  	[sflag:s28] =	ssyncset.done $0x0  }
0xa8: {  	[sflag:s28] =	ssyncadd.s32 $0xFFFFFFB8  }
0xa9: {  	[spmem:s2] =	stream.indirect.scatter.add.f32 [tilespmem:s23], [sflag:$0x9], $0x80, s21, s22, $0xb8;
	[tilespmem:$0x1F580] =	vst v63  }
0xaa: {  	_ =	swait.ge [sflag:s20], $0x2400  }
0xab: {  	[sflag:s20] =	ssyncset.done $0x0  }
0xac: {  	[sflag:s20] =	ssyncadd.s32 $0xFFFFDC00  }
0xad: {  	_ =	swait.ge [sflag:s31], $0x2400  }
0xae: {  	[sflag:s31] =	ssyncset.done $0x0  }
0xaf: {  	[sflag:s31] =	ssyncadd.s32 $0xFFFFDC00  }
0xb0: {  	_ =	swait.ge [sflag:s6], $0x48  }
0xb1: {  	[sflag:s6] =	ssyncset.done $0x0  }
0xb2: {  	[sflag:s6] =	ssyncadd.s32 $0xFFFFFFB8  }
0xb3: {  	[spmem:s2] =	stream.indirect.scatter.add.f32 [tilespmem:s25], [sflag:$0x9], $0x80, s24, s22, $0xb8;
	[tilespmem:$0x1F580] =	vst v63  }
0xb4: {  	_ =	swait.ge [sflag:s20], $0x2400  }
0xb5: {  	[sflag:s20] =	ssyncset.done $0x0  }
0xb6: {  	[sflag:s20] =	ssyncadd.s32 $0xFFFFDC00  }
0xb7: {  	_ =	swait.ge [sflag:s8], $0x2400  }
0xb8: {  	[sflag:s8] =	ssyncset.done $0x0  }
0xb9: {  	[sflag:s8] =	ssyncadd.s32 $0xFFFFDC00  }
0xba: {  	_ =	swait.ge [sflag:s10], $0x48  }
0xbb: {  	[sflag:s10] =	ssyncset.done $0x0  }
0xbc: {  	[sflag:s10] =	ssyncadd.s32 $0xFFFFFFB8  }
0xbd: {  	[spmem:s2] =	stream.indirect.scatter.add.f32 [tilespmem:s29], [sflag:$0x9], $0x80, s26, s22, $0xb8;
	[tilespmem:$0x1F580] =	vst v63  }
0xbe: {  	_ =	swait.ge [sflag:s20], $0x2400  }
0xbf: {  	[sflag:s20] =	ssyncset.done $0x0  }
0xc0: {  	[sflag:s20] =	ssyncadd.s32 $0xFFFFDC00  }
0xc1: {  	_ =	swait.ge [sflag:s11], $0x2400  }
0xc2: {  	[sflag:s11] =	ssyncset.done $0x0  }
0xc3: {  	[sflag:s11] =	ssyncadd.s32 $0xFFFFDC00  }
0xc4: {  	_ =	swait.ge [sflag:s12], $0x48  }
0xc5: {  	[sflag:s12] =	ssyncset.done $0x0  }
0xc6: {  	[sflag:s12] =	ssyncadd.s32 $0xFFFFFFB8  }
0xc7: {  	[spmem:s2] =	stream.indirect.scatter.add.f32 [tilespmem:s1], [sflag:$0x9], $0x80, s30, s22, $0xb8;
	[tilespmem:$0x1F580] =	vst v63  }
0xc8: {  	_ =	swait.ge [sflag:s20], $0x2400  }
0xc9: {  	[sflag:s20] =	ssyncset.done $0x0  }
0xca: {  	[sflag:s20] =	ssyncadd.s32 $0xFFFFDC00  }
0xcb: {  	[bflag:$0x0] =	sbarrier.arrive $0xFFFF  }
0xcc: {  	s7 =	rddreg [dreg:$0x9]  }
0xcd: {  	s13 =	rddreg [dreg:$0xf]  }
0xce: {  	[hbm:s7], [sflag:s19] =	dma.local [spmem:s13], $0x2780  }
0xcf: {  	_ =	swait.ge [sflag:s20], $0x2780  }
0xd0: {  	s14 =	smov.u32 s19;
	s9 =	sadd.s32 $0x1, s9;
	s19 =	rddreg [dreg:$0xa]  }
0xd1: {  	p0 =	sne.s32 s9, s19  }
.Ltmp1:
0xd2: {  	_ = 	snop;
	(pc) =	sbr.rel @p0 .LBB2_1-.Ltmp1, $3  }
0xd3: {  	_ =	sdelay $0x1  }
0xd4: {  	[sflag:s20] =	ssyncset.done $0x0  }
0xd5: {  	[sflag:s20] =	ssyncadd.s32 $0xFFFFD880  }
0xd6: {  	_ =	sfence.sel $0x180000  }
0xd7: {  	[bflag:$0x0] =	sbarrier.arrive $0xFFFF  }
0xd8: {  	_ =	strace $0x9000004D  }
0xd9: {  	s0 =	stileid.u32;
	[bflag:$0x2] =	sbarrier.arrive $0xFFFF  }
0xda: {  	p0 =	sne.s32 s0, $0x0;
	s0 =	rddreg [dreg:$0x2]  }
0xdb: {  	s0 =	sadd.s32 @!p0 $0x100000, s0  }
0xdc: {  	[sflag:s0] =	ssyncadd.tile.s32 @!p0 $0x1;
	_ =	shalt  }
.Lfunc_end2:
_tile_overlayer_lowered:
.L_overlay_start_2:
0xdd: {  	(tag) =	ssettag $0x2  }
0xde: {  	s0 =	rddreg [dreg:$0x0];
	s2 =	stileid.u32  }
0xdf: {  	s1 =	rddreg [dreg:$0x1];
	p0 =	sne.s32 s2, $0x0  }
0xe0: {  	s3 =	rddreg [dreg:$0x2];
	[bflag:$0x3] =	sbarrier.arrive $0xFFFF;
	s2 =	simm.s32 @!p0 $0x1C09  }
0xe1: {  	[timem:s3], [sflag:s2] =	dma.local @!p0 [hbm:s0], s1  }
0xe2: {  	s0 =	simm.s32 @!p0 $0x9  }
0xe3: {  	_ =	swait.ge @!p0 [sflag:s0], s1  }
0xe4: {  	s1 =	ssub.s32 @!p0 $0x0, s1;
	[sflag:s0] =	ssyncset.done @!p0 $0x0  }
0xe5: {  	[sflag:s0] =	ssyncadd.s32 @!p0 s1  }
0xe6: {  	[bflag:$0x3] =	sbarrier.arrive $0xFFFF  }
0xe7: {  	_ =	shalt  }

// kernel: kernel.8.cloned.1.call-start
scs
__scs_entry_jumppad:
0x0: {  	(pc) =	sbr.rel $0x88, $3  }
0x1: {  	(tag) =	ssettag $0x0;
	lr =	simm.s32 $0x1  }
0x2: {  	[smem:$0x3F93] =	sst lr;
	_ =	strace $0xD0000000  }
0x3: {  	_ = 	snop  }
0x4: {  	_ = 	snop  }
0x5: {  	_ = 	snop  }
0x6: {  	_ = 	snop  }
0x7: {  	_ = 	snop  }
__scs_overlays_trampoline_lowered:
0x8: {  	[smem:$0x3FA2] =	sst s0  }
0x9: {  	[smem:$0x3FA3] =	sst s1  }
0xa: {  	[smem:$0x3FA4] =	sst s2  }
0xb: {  	[smem:$0x3FA5] =	sst s3  }
0xc: {  	[smem:$0x3FA6] =	sst s4  }
0xd: {  	[smem:$0x3FA7] =	sst s5  }
0xe: {  	[smem:$0x3FA8] =	sst s6  }
0xf: {  	[smem:$0x3FA9] =	sst s7  }
0x10: {  	[smem:$0x3FAA] =	sst s8  }
0x11: {  	[smem:$0x3FAB] =	sst s9;
	s0 =	simm.s32 @!p0 $0x0  }
0x12: {  	s1 =	sld [smem:$0x3F91];
	s0 =	simm.s32 @p0 $0x1  }
0x13: {  	[smem:$0x3FAC] =	sst s0;
	s0 =	simm.s32 @!p1 $0x0  }
0x14: {  	s2 =	sld [smem:$0x3F90];
	s0 =	simm.s32 @p1 $0x1  }
0x15: {  	[smem:$0x3FAD] =	sst s0;
	s0 =	simm.s32 @!p2 $0x0  }
0x16: {  	s3 =	sld [smem:$0x3FDB];
	s0 =	simm.s32 @p2 $0x1  }
0x17: {  	s4 =	simm.s32 $0x1BF5;
	[smem:$0x3FAF] =	sst s0  }
0x18: {  	s0 =	sld [smem:$0x3F92];
	_ =	swait.ge [sflag:s4], $0x0  }
0x19: {  	s7 =	sld [smem:$0x3F93]  }
0x1a: {  	s8 =	sadd.s32 $0xFFFFE003, lr  }
0x1b: {  	s9 =	sadd.s32 $0xFFFFFEF7, lr;
	s5 =	simm.s32 $0xFFFFFFFF;
	p2 =	slt.u32 s8, $0xFFFFF086  }
0x1c: {  	p1 =	slt.u32 s9, $0xF7A;
	s5 =	simm.s32 @!p2 $0x0  }
0x1d: {  	s5 =	simm.s32 @p1 $0x1;
	p0 =	seq.s32 s7, s2  }
0x1e: {  	s7 =	smul.u32 @!p0 $0xF7A, s2;
	p2 =	seq.s32 @!p0 s5, $0x0  }
0x1f: {  	s9 =	smul.u32 $0xF7A, s1;
	s8 =	simm.s32 @!p0 $0x1BF5;
	p2 =	por !p2, p0  }
0x20: {  	[sflag:s8] =	ssyncset.s32 @!p0 $0xFFFFF086;
	s6 =	sadd.s32 @!p0 s3, s7;
	s7 =	simm.s32 @!p0 $0x108  }
0x21: {  	s3 =	sadd.s32 s3, s9;
	s6 =	sadd.s32 @!p0 $0x88, s6;
	s7 =	simm.s32 @p2 $0x1082  }
0x22: {  	[simem:s7], [sflag:s8] =	dma.local @!p0 [hbm:s6], $0xF7A  }
0x23: {  	s9 =	sor.u32 $0xD0000000, s2;
	s6 =	simm.s32 $0x108;
	_ =	swait.ge @!p0 [sflag:s8], $0x0  }
0x24: {  	s3 =	sadd.s32 $0x88, s3;
	s6 =	simm.s32 @!p1 $0x1082;
	[sflag:s4] =	ssyncset.s32 $0xFFFFF086  }
0x25: {  	[simem:s6], [sflag:s4] =	dma.local [hbm:s3], $0xF7A  }
0x26: {  	[smem:$0x3F93] =	sst s1;
	(tag) =	ssettag s2;
	_ =	strace s9  }
0x27: {  	s1 =	sld [smem:$0x3FA3]  }
0x28: {  	s2 =	sld [smem:$0x3FA4]  }
0x29: {  	s4 =	sld [smem:$0x3FA6]  }
0x2a: {  	p0 =	seq.s32 s5, $0x0;
	s5 =	sld [smem:$0x3FA7]  }
0x2b: {  	s6 =	sld [smem:$0x3FA8]  }
0x2c: {  	s7 =	sld [smem:$0x3FA9]  }
0x2d: {  	s3 =	simm.s32 $0x108;
	s8 =	sld [smem:$0x3FAA]  }
0x2e: {  	s3 =	simm.s32 @!p0 $0x1082;
	s9 =	sld [smem:$0x3FAB]  }
0x2f: {  	lr =	sadd.s32 s0, s3;
	s0 =	sld [smem:$0x3FA2]  }
0x30: {  	s3 =	sld [smem:$0x3FA5]  }
0x31: {  	[smem:$0x3FAE] =	sst s10  }
0x32: {  	s10 =	sld [smem:$0x3FAC];
	_ =	sdelay $0x3  }
0x33: {  	p0 =	seq.s32 s10, $0x1;
	s10 =	sld [smem:$0x3FAE];
	_ =	sdelay $0x3  }
0x34: {  	[smem:$0x3FAE] =	sst s10  }
0x35: {  	s10 =	sld [smem:$0x3FAD];
	_ =	sdelay $0x3  }
0x36: {  	p1 =	seq.s32 s10, $0x1;
	s10 =	sld [smem:$0x3FAE];
	_ =	sdelay $0x3  }
0x37: {  	[smem:$0x3FAE] =	sst s10  }
0x38: {  	s10 =	sld [smem:$0x3FAF]  }
0x39: {  	_ = 	snop;
	(pc) =	sbr.ind lr, $3  }
0x3a: {  	_ = 	snop  }
0x3b: {  	_ = 	snop  }
0x3c: {  	p2 =	seq.s32 s10, $0x1;
	s10 =	sld [smem:$0x3FAE]  }
0x3d: {  	_ =	shalt  }
0x3e: {  	_ =	shalt  }
0x3f: {  	_ =	shalt  }
0x40: {  	_ =	shalt  }
0x41: {  	_ =	shalt  }
0x42: {  	_ =	shalt  }
0x43: {  	_ =	shalt  }
0x44: {  	_ =	shalt  }
0x45: {  	_ =	shalt  }
0x46: {  	_ =	shalt  }
0x47: {  	_ =	shalt  }
0x48: {  	_ =	shalt  }
0x49: {  	_ =	shalt  }
0x4a: {  	_ =	shalt  }
0x4b: {  	_ =	shalt  }
0x4c: {  	_ =	shalt  }
0x4d: {  	_ =	shalt  }
0x4e: {  	_ =	shalt  }
0x4f: {  	_ =	shalt  }
0x50: {  	_ =	shalt  }
0x51: {  	_ =	shalt  }
0x52: {  	_ =	shalt  }
0x53: {  	_ =	shalt  }
0x54: {  	_ =	shalt  }
0x55: {  	_ =	shalt  }
0x56: {  	_ =	shalt  }
0x57: {  	_ =	shalt  }
0x58: {  	_ =	shalt  }
0x59: {  	_ =	shalt  }
0x5a: {  	_ =	shalt  }
0x5b: {  	_ =	shalt  }
0x5c: {  	_ =	shalt  }
0x5d: {  	_ =	shalt  }
0x5e: {  	_ =	shalt  }
0x5f: {  	_ =	shalt  }
0x60: {  	_ =	shalt  }
0x61: {  	_ =	shalt  }
0x62: {  	_ =	shalt  }
0x63: {  	_ =	shalt  }
0x64: {  	_ =	shalt  }
0x65: {  	_ =	shalt  }
0x66: {  	_ =	shalt  }
0x67: {  	_ =	shalt  }
0x68: {  	_ =	shalt  }
0x69: {  	_ =	shalt  }
0x6a: {  	_ =	shalt  }
0x6b: {  	_ =	shalt  }
0x6c: {  	_ =	shalt  }
0x6d: {  	_ =	shalt  }
0x6e: {  	_ =	shalt  }
0x6f: {  	_ =	shalt  }
0x70: {  	_ =	shalt  }
0x71: {  	_ =	shalt  }
0x72: {  	_ =	shalt  }
0x73: {  	_ =	shalt  }
0x74: {  	_ =	shalt  }
0x75: {  	_ =	shalt  }
0x76: {  	_ =	shalt  }
0x77: {  	_ =	shalt  }
0x78: {  	_ =	shalt  }
0x79: {  	_ =	shalt  }
0x7a: {  	_ =	shalt  }
0x7b: {  	_ =	shalt  }
0x7c: {  	_ =	shalt  }
0x7d: {  	_ =	shalt  }
0x7e: {  	_ =	shalt  }
0x7f: {  	_ =	shalt  }
0x80: {  	_ =	shalt  }
0x81: {  	_ =	shalt  }
0x82: {  	_ =	shalt  }
0x83: {  	_ =	shalt  }
0x84: {  	_ =	shalt  }
0x85: {  	_ =	shalt  }
0x86: {  	_ =	shalt  }
0x87: {  	_ =	shalt  }
.Lfunc_end0:
.L_simem_size_0:
called_computation_lowered:
.L_overlay_start_0:
0x88: {  	s2 =	sld [smem:$0x3FD9]  }
0x89: {  	s3 =	sld [smem:$0x3FFE];
	_ =	sdelay $0x1  }
0x8a: {  	s1 =	srdreg.scid  }
0x8b: {  	s0 =	sand.u32 $0x1, s1  }
0x8c: {  	s16 =	sshll.u32 s0, $0xA;
	s2 =	sadd.s32 s3, s2  }
0x8d: {  	s2 =	sadd.s32 s2, s16  }
0x8e: {  	[smem:$0x3FBA] =	sst s2  }
0x8f: {  	_ = 	snop  }
0x90: {  	(tm) =	ssettm $0x1  }
0x91: {  	s17 =	sld [smem:$0x3FFB];
	_ =	sdelay $0x3  }
0x92: {  	_ =	strace s17  }
0x93: {  	s2 =	sld [smem:$0x3FFC];
	_ =	sdelay $0x3  }
0x94: {  	_ =	strace s2  }
0x95: {  	s2 =	sld [smem:$0x3FFD];
	_ =	sdelay $0x3  }
0x96: {  	_ =	strace s2  }
0x97: {  	_ =	strace $0x8FFFFFFF  }
0x98: {  	s18 =	sld [smem:$0x3FDB];
	_ =	sdelay $0x1  }
0x99: {  	s19 =	simm.s32 $_scs_section_size  }
0x9a: {  	s4 =	simm.s32 $_size__tile_overlayer_lowered;
	s5 =	simm.s32 $_tile_overlayer_lowered  }
0x9b: {  	s22 =	simm.s32 $0x1BFF;
	s21 =	sshll.u32 s5, $0x1;
	s2 =	sadd.s32 s19, s18  }
0x9c: {  	s6 =	simm.s32 $0x0;
	s20 =	sshll.u32 s4, $0x1;
	s4 =	sadd.s32 s21, s2  }
0x9d: {  	[timem:s6], [sflag:s22] =	dma.local [hbm:s4], s20  }
0x9e: {  	_ =	swait.ge [sflag:s22], s20  }
0x9f: {  	s3 =	ssub.s32 $0x0, s20;
	[sflag:s22] =	ssyncset.done $0x0  }
0xa0: {  	[sflag:s22] =	ssyncadd.s32 s3;
	_ =	sdelay $0x1  }
0xa1: {  	s23 =	simm.s32 $0x1B8B  }
0xa2: {  	_ =	swait.ge [sflag:s23], $0x1  }
0xa3: {  	[sflag:s23] =	ssyncset.done $0x0  }
0xa4: {  	s25 =	simm.s32 $0x1B8E;
	s24 =	sld [smem:$0x3FFE];
	[sflag:s23] =	ssyncadd.s32 $0xFFFFFFFF  }
0xa5: {  	s26 =	simm.s32 $execute0_lowered;
	[smem:$0x3FD2] =	sst s25  }
0xa6: {  	s4 =	sshll.u32 s26, $0x1;
	_ =	strace $0x80000046;
	[dreg:$0x1] =	wrdreg $0xFFFFFFFF  }
0xa7: {  	s28 =	simm.s32 $_size_execute0_lowered;
	s2 =	sadd.s32 s2, s4;
	[dreg:$0x0] =	wrdreg $0x0  }
0xa8: {  	s4 =	sshll.u32 s28, $0x1;
	[dreg:$0x2] =	wrdreg s2  }
0xa9: {  	[dreg:$0x3] =	wrdreg s4  }
0xaa: {  	[dreg:$0x4] =	wrdreg $0xC0  }
0xab: {  	_ =	task [dreg:s6], $0x5FFFF  }
0xac: {  	[dreg:$0x1] =	wrdreg $0xFFFFFFFF  }
0xad: {  	[dreg:$0x0] =	wrdreg $0x60  }
0xae: {  	[dreg:$0x2] =	wrdreg s24  }
0xaf: {  	[dreg:$0x3] =	wrdreg $0x9  }
0xb0: {  	_ =	task.clear_ibuf [dreg:s6], $0x4FFFF;
	_ =	strace $0x90000046  }
0xb1: {  	s29 =	simm.s32 $0x9;
	_ =	strace $0x80000048  }
0xb2: {  	_ =	swait.ge [sflag:s29], $0x1  }
0xb3: {  	[sflag:s29] =	ssyncadd.s32 $0xFFFFFFFF  }
0xb4: {  	_ =	strace $0x90000048  }
0xb5: {  	_ =	sfence  }
0xb6: {  	s30 =	sld [smem:$0x0];
	_ =	sdelay $0x2  }
0xb7: {  	s31 =	sshll.u32 s1, $0xD;
	s1 =	sshrl.u32 s1, $0x2  }
0xb8: {  	s3 =	sand.u32 $0x4000, s31;
	s1 =	sadd.s32 s1, s30  }
0xb9: {  	s0 =	sor.u32 s3, s0;
	s1 =	sshll.u32 s1, $0x11  }
0xba: {  	s0 =	sor.u32 s1, s0  }
0xbb: {  	s0 =	sadd.s32 $0x8F2B, s0  }
0xbc: {  	[sflag:s0] =	ssyncadd.remote.s32 $0x1  }
0xbd: {  	_ =	sfence.sel $0xFFFF  }
0xbe: {  	[dreg:$0x0] =	wrdreg $0xFFFFFFFF;
	(pc) =	sbr.abs _section_cstart, $3  }
0xbf: {  	[dreg:$0x1] =	wrdreg $0xFFFFFFFF  }
0xc0: {  	_ =	task.clear_ibuf [dreg:s6], $0x2FFFF;
	_ =	strace $0x9FFFFFFF  }
0xc1: {  	(tm) =	ssettm $0x7FFFFFFF  }
tec
execute0_lowered:
.L_overlay_start_1:
0x0: {  	(tag) =	ssettag $0x1  }
0x1: {  	s0 =	srdreg.scid;
	s5 =	rddreg [dreg:$0x0];
	s2 =	simm.s32 $0x0  }
0x2: {  	s8 =	simm.s32 $0x1;
	s9 =	simm.s32 $0x2780;
	s3 =	sand.u32 $0x1, s0  }
0x3: {  	s10 =	simm.s32 $0x4F00;
	s0 =	stileid.u32;
	s1 =	sshll.u32 s3, $0x4  }
0x4: {  	s11 =	simm.s32 $0x7680;
	s12 =	simm.s32 $0x80;
	s4 =	sor.u32 s0, s1  }
0x5: {  	s13 =	simm.s32 $0x400;
	[smem:$0x7FF] =	sst s2;
	s1 =	sshrl.u32 s4, $0x3  }
0x6: {  	s7 =	sshll.u32 s0, $0x7;
	s3 =	ssub.s32 $0x2, s3;
	s6 =	smul.u32 $0x13C00, s1  }
0x7: {  	s7 =	sand.u32 $0x380, s7;
	s30 =	sshrl.u32 s3, $0x1;
	s4 =	smul.u32 $0x4EC, s4  }
0x8: {  	s31 =	ssub.s32 s3, s30;
	s1 =	rddreg [dreg:$0x1];
	s6 =	sor.u32 s7, s6  }
0x9: {  	_ =	strace $0x80000047;
	s4 =	sadd.s32 s4, s5;
	s6 =	sshrl.u32 s6, $0x3  }
0xa: {  	s3 =	sadd.s32 $0xD200, s4;
	s4 =	sadd.s32 $0x3400, s4;
	s6 =	sadd.s32 s6, s5  }
0xb: {  	v0 =	vimm.f32 $0.0e+00;
	v1 =	vimm.f32 $1.000000000e+00;
	s7 =	smax.u32 s31, $0x1;
	s5 =	sadd.s32 $0x17000, s6;
	s6 =	sadd.s32 $0x20E00, s6  }
.LBB2_1:
0xc: {  	s14 =	simm.s32 $0x40;
	s15 =	simm.s32 $0x0  }
.LBB2_2:
0xd: {  	p0 =	sne.s32 s14, $0x9DC0;
	[tilespmem:s15+$0x4F00] =	vst v0;
	s16 =	smov.u32 s14;
	s14 =	sadd.s32 $0x40, s14  }
.Ltmp0:
0xe: {  	[tilespmem:s15+$0x7680] =	vst v0;
	(pc) =	sbr.rel @p0 .LBB2_2-.Ltmp0, $2  }
0xf: {  	_ =	sdelay $0x2  }
0x10: {  	s15 =	sshra.s32 s16, $0x2  }
0x11: {  	[tilespmem:s15+$0x4F00] =	vst v0  }
0x12: {  	[tilespmem:s15+$0x7680] =	vst v0;
	s14 =	simm.s32 $0x0  }
0x13: {  	[tilespmem:s14], [sflag:$0x1] =	stream.linear.gather [hbm4b:s3+s14], $0x2760, $0x38;
	[tilespmem:$0x9E00] =	vst v63  }
0x14: {  	_ =	swait.ge [sflag:s8], $0x2760  }
0x15: {  	[sflag:s8] =	ssyncset.done $0x0  }
0x16: {  	[sflag:s8] =	ssyncadd.s32 $0xFFFFD8A0  }
0x17: {  	[tilespmem:s9], [sflag:$0x1] =	stream.linear.gather [hbm4b:s4+s14], $0x2760, $0x38;
	[tilespmem:$0x9E00] =	vst v63  }
0x18: {  	_ =	swait.ge [sflag:s8], $0x2760  }
0x19: {  	[sflag:s8] =	ssyncset.done $0x0  }
0x1a: {  	s15 =	simm.s32 $0x0;
	s14 =	simm.s32 $0x40;
	[sflag:s8] =	ssyncadd.s32 $0xFFFFD8A0  }
.LBB2_4:
0x1b: {  	p0 =	sne.s32 s14, $0x9D40;
	v2 =	vld [tilespmem:s15+$0x0];
	_ =	sdelay $0x7  }
0x1c: {  	[tilespmem:v2+s10+$0x0] =	vst.idx.add.f32.msk $0xffff, v1  }
0x1d: {  	v2 =	vld [tilespmem:s15+$0x2780];
	_ =	sdelay $0x3  }
.Ltmp1:
0x1e: {  	(pc) =	sbr.rel @p0 .LBB2_4-.Ltmp1, $2  }
0x1f: {  	_ =	sdelay $0x2  }
0x20: {  	s15 =	sshra.s32 s14, $0x2;
	s14 =	sadd.s32 $0x40, s14;
	[tilespmem:v2+s11+$0x0] =	vst.idx.add.f32.msk $0xffff, v1  }
0x21: {  	v2 =	vld [tilespmem:s15+$0x0];
	_ =	sdelay $0x7  }
0x22: {  	[tilespmem:v2+s10+$0x0] =	vst.idx.add.f32.msk $0xffff, v1  }
0x23: {  	v2 =	vld [tilespmem:s15+$0x2780];
	_ =	sdelay $0x7  }
0x24: {  	[tilespmem:v2+s11+$0x0] =	vst.idx.add.f32.msk $0xffff, v1  }
0x25: {  	[hbm4b:s5+s12] =	stream.strided.scatter [tilespmem:s10], [sflag:$0x1], $0x2780, s13, s12, $0x38;
	[tilespmem:$0x9E00] =	vst v63  }
0x26: {  	s2 =	sadd.s32 $0x1, s2;
	_ =	swait.ge [sflag:s8], $0x2780  }
0x27: {  	p0 =	sne.s32 s2, s7;
	[sflag:s8] =	ssyncset.done $0x0  }
.Ltmp2:
0x28: {  	[sflag:s8] =	ssyncadd.s32 $0xFFFFD880;
	(pc) =	sbr.rel @p0 .LBB2_1-.Ltmp2, $4  }
0x29: {  	[hbm4b:s6+s12] =	stream.strided.scatter [tilespmem:s11], [sflag:$0x1], $0x2780, s13, s12, $0x38;
	[tilespmem:$0x9E00] =	vst v63  }
0x2a: {  	_ =	swait.ge [sflag:s8], $0x2780  }
0x2b: {  	[sflag:s8] =	ssyncset.done $0x0  }
0x2c: {  	[sflag:s8] =	ssyncadd.s32 $0xFFFFD880  }
0x2d: {  	_ =	sfence.sel $0x180000  }
0x2e: {  	[bflag:$0x0] =	sbarrier.arrive $0xFFFF  }
0x2f: {  	p0 =	sne.s32 s0, $0x0;
	_ =	strace $0x90000047  }
0x30: {  	s0 =	sadd.s32 @!p0 $0x100000, s1;
	[bflag:$0x2] =	sbarrier.arrive $0xFFFF  }
0x31: {  	[sflag:s0] =	ssyncadd.tile.s32 @!p0 $0x1;
	_ =	shalt  }
.Lfunc_end2:
_tile_overlayer_lowered:
.L_overlay_start_2:
0x32: {  	(tag) =	ssettag $0x2  }
0x33: {  	s0 =	rddreg [dreg:$0x0];
	s2 =	stileid.u32  }
0x34: {  	s1 =	rddreg [dreg:$0x1];
	p0 =	sne.s32 s2, $0x0  }
0x35: {  	s3 =	rddreg [dreg:$0x2];
	[bflag:$0x3] =	sbarrier.arrive $0xFFFF;
	s2 =	simm.s32 @!p0 $0x1C01  }
0x36: {  	[timem:s3], [sflag:s2] =	dma.local @!p0 [hbm:s0], s1  }
0x37: {  	s0 =	simm.s32 @!p0 $0x1  }
0x38: {  	_ =	swait.ge @!p0 [sflag:s0], s1  }
0x39: {  	s1 =	ssub.s32 @!p0 $0x0, s1;
	[sflag:s0] =	ssyncset.done @!p0 $0x0  }
0x3a: {  	[sflag:s0] =	ssyncadd.s32 @!p0 s1  }
0x3b: {  	[bflag:$0x3] =	sbarrier.arrive $0xFFFF  }
0x3c: {  	_ =	shalt  }

</sc_bundles>
